<compile_context>
chip_gen: v7x
topology: tpu7x:2x2x1
jax: 0.10.2.dev20260603
libtpu: 0.0.44.dev20260713+nightly
codegen_flags: <defaults>
</compile_context>

<pallas_src>
import jax
import jax.numpy as jnp
from jax import lax
from jax.experimental import pallas as pl
from jax.experimental.pallas import tpu as pltpu
from jax.experimental.pallas import tpu_sc as plsc

N_LOW = 5000
N_HIGH = 10000
C_IN = 128
C_MID = 64
C_OUT = 128

CP = 5120
FP = 10240
ELP = 163840
EHP = 327680
LOW_PAD_NODE = 5000
HIGH_PAD_NODE = 10008
IDX_PAD = 10000

_HIGHEST = jax.lax.Precision.HIGHEST


def _lrelu(v):
    return jnp.where(v >= 0, v, 0.01 * v)


def _dot(a, b):
    return jnp.dot(a, b, precision=_HIGHEST, preferred_element_type=jnp.float32)



def _tc1_body(x_ref, w_ref, y1_ref, s1_ref):
    h = _dot(x_ref[...], w_ref[...])
    y1_ref[...] = jnp.concatenate(
        [h[:, :C_MID], jnp.zeros_like(h[:, :C_MID])], axis=1)
    s1_ref[...] = h[:, C_MID:]


def _tc1(x_pad, w_cat):
    return pl.pallas_call(
        _tc1_body,
        grid=(8,),
        in_specs=[
            pl.BlockSpec((CP // 8, C_IN), lambda i: (i, 0)),
            pl.BlockSpec((C_IN, 2 * C_MID), lambda i: (0, 0)),
        ],
        out_specs=[
            pl.BlockSpec((CP // 8, 128), lambda i: (i, 0)),
            pl.BlockSpec((CP // 8, C_MID), lambda i: (i, 0)),
        ],
        out_shape=[
            jax.ShapeDtypeStruct((CP, 128), jnp.float32),
            jax.ShapeDtypeStruct((CP, C_MID), jnp.float32),
        ],
    )(x_pad, w_cat)


def _tc2_body(x_ref, s1_ref, agg_ref, b1_ref, m_ref):
    i = pl.program_id(0)
    blk = x_ref.shape[0]
    h1 = _lrelu(s1_ref[...] + agg_ref[0, :, :C_MID] + agg_ref[1, :, :C_MID]
                + b1_ref[...])
    row = jax.lax.broadcasted_iota(jnp.int32, (blk, 1), 0) + i * blk
    h1 = jnp.where(row < N_LOW, h1, 0.0)
    m_ref[0] = x_ref[...]
    m_ref[1] = jnp.concatenate([h1, jnp.zeros_like(h1)], axis=1)


def _tc2(x_pad, s1, agg_l, b1):
    blk = CP // 8
    return pl.pallas_call(
        _tc2_body,
        grid=(8,),
        in_specs=[
            pl.BlockSpec((blk, C_IN), lambda i: (i, 0)),
            pl.BlockSpec((blk, C_MID), lambda i: (i, 0)),
            pl.BlockSpec((2, blk, 128), lambda i: (0, i, 0)),
            pl.BlockSpec((1, C_MID), lambda i: (0, 0)),
        ],
        out_specs=pl.BlockSpec((2, blk, 128), lambda i: (0, i, 0)),
        out_shape=jax.ShapeDtypeStruct((2, CP, 128), jnp.float32),
    )(x_pad, s1, agg_l, b1)


def _tc3_body(u_ref, a_ref, wss, ws2, wns, wn2, b2_ref, bsk_ref, o_ref):
    xu, hu = u_ref[0], u_ref[1][:, :C_MID]
    ask, a2 = a_ref[0], a_ref[1][:, :C_MID]
    skip_pre = _dot(xu, wss[...]) + _dot(ask, wns[...]) + bsk_ref[...]
    h2_pre = _dot(hu, ws2[...]) + _dot(a2, wn2[...]) + b2_ref[...]
    o_ref[...] = _lrelu(_lrelu(h2_pre) + _lrelu(skip_pre))


def _tc3(u, agg, w_self_skip, w_self2, w_nbr_skip, w_nbr2, b2, b_skip):
    blk = FP // 16
    wmat = lambda m, n: pl.BlockSpec((m, n), lambda i: (0, 0))
    return pl.pallas_call(
        _tc3_body,
        grid=(16,),
        in_specs=[
            pl.BlockSpec((2, blk, 128), lambda i: (0, i, 0)),
            pl.BlockSpec((2, blk, 128), lambda i: (0, i, 0)),
            wmat(C_IN, C_OUT), wmat(C_MID, C_OUT),
            wmat(C_IN, C_OUT), wmat(C_MID, C_OUT),
            wmat(1, C_OUT), wmat(1, C_OUT),
        ],
        out_specs=pl.BlockSpec((blk, C_OUT), lambda i: (i, 0)),
        out_shape=jax.ShapeDtypeStruct((FP, C_OUT), jnp.float32),
    )(u, agg, w_self_skip, w_self2, w_nbr_skip, w_nbr2,
      b2.reshape(1, C_OUT), b_skip.reshape(1, C_OUT))



_SC_MESH = plsc.VectorSubcoreMesh(core_axis_name="c", subcore_axis_name="s")


def _sc_low_body(y1_hbm, src_hbm, dst_hbm, zeros_hbm, out_hbm,
                 acc_sh, src_v, dst_v, rows_a, rows_b,
                 gsem_a, gsem_b, ssem_a, ssem_b):
    c = lax.axis_index("c")
    s = lax.axis_index("s")
    rows_per = CP // 16
    r0 = s * rows_per
    pltpu.sync_copy(zeros_hbm.at[pl.ds(0, 128)], rows_a)

    @pl.loop(0, 5)
    def _(k):
        pltpu.sync_copy(rows_a.at[pl.ds(0, 64)],
                        acc_sh.at[pl.ds(r0 + k * 64, 64)])

    plsc.subcore_barrier()
    w = c * 16 + s
    pltpu.sync_copy(src_hbm.at[pl.ds(w * 40, 40)], src_v)
    pltpu.sync_copy(dst_hbm.at[pl.ds(w * 40, 40)], dst_v)

    def _g(e, buf, sem):
        return pltpu.async_copy(y1_hbm.at[src_v.at[e]], buf, sem)

    def _gw(e, buf, sem):
        pltpu.make_async_copy(y1_hbm.at[src_v.at[e]], buf, sem).wait()

    def _s(e, buf, sem):
        return pltpu.async_copy(buf, acc_sh.at[dst_v.at[e]], sem, add=True)

    def _sw(e, buf, sem):
        pltpu.make_async_copy(buf, acc_sh.at[dst_v.at[e]], sem).wait()

    _g(0, rows_a, gsem_a)

    @pl.loop(0, 19)
    def _(q):
        e = 2 * q
        _gw(e, rows_a, gsem_a)
        _g(e + 1, rows_b, gsem_b)
        _s(e, rows_a, ssem_a)
        _gw(e + 1, rows_b, gsem_b)
        _s(e + 1, rows_b, ssem_b)
        _sw(e, rows_a, ssem_a)
        _g(e + 2, rows_a, gsem_a)
        _sw(e + 1, rows_b, ssem_b)

    _gw(38, rows_a, gsem_a)
    _s(38, rows_a, ssem_a)
    _g(39, rows_b, gsem_b)
    _gw(39, rows_b, gsem_b)
    _s(39, rows_b, ssem_b)
    _sw(38, rows_a, ssem_a)
    _sw(39, rows_b, ssem_b)

    plsc.subcore_barrier()

    @pl.loop(0, 5)
    def _(k):
        pltpu.sync_copy(acc_sh.at[pl.ds(r0 + k * 64, 64)],
                        rows_a.at[pl.ds(0, 64)])
        pltpu.sync_copy(rows_a.at[pl.ds(0, 64)],
                        out_hbm.at[c, pl.ds(r0 + k * 64, 64)])


def _sc_low(y1_pad, src_r, dst_r, zeros_l):
    f = pl.kernel(
        _sc_low_body,
        out_type=jax.ShapeDtypeStruct((2, CP, 128), jnp.float32),
        mesh=_SC_MESH,
        scratch_types=[
            pltpu.VMEM_SHARED((CP, 128), jnp.float32),
            pltpu.VMEM((40, 128), jnp.int32),
            pltpu.VMEM((40, 128), jnp.int32),
            pltpu.VMEM((128, 128), jnp.float32),
            pltpu.VMEM((128, 128), jnp.float32),
            pltpu.SemaphoreType.DMA,
            pltpu.SemaphoreType.DMA,
            pltpu.SemaphoreType.DMA,
            pltpu.SemaphoreType.DMA,
        ],
    )
    return f(y1_pad, src_r, dst_r, zeros_l)


def _sc_high_body(m_hbm, idx_hbm, src_hbm, dst_hbm, zeros_hbm,
                  agg_hbm, u_hbm,
                  acc_sh, sidx_v, src_v, dst_v, rows_a, rows_b,
                  gsem_a, gsem_b, ssem_a, ssem_b):
    c = lax.axis_index("c")
    s = lax.axis_index("s")
    rows_per = FP // 16
    r0 = s * rows_per
    pltpu.sync_copy(zeros_hbm.at[pl.ds(0, 128)], rows_a)

    @pl.loop(0, 5)
    def _(k):
        pltpu.sync_copy(rows_a, acc_sh.at[pl.ds(r0 + k * 128, 128)])
        pltpu.sync_copy(rows_a, u_hbm.at[c, pl.ds(r0 + k * 128, 128)])

    plsc.subcore_barrier()
    pltpu.sync_copy(idx_hbm.at[s], sidx_v)

    @pl.loop(0, 5)
    def _(j):
        pltpu.sync_copy(m_hbm.at[c, pl.ds(s * 320 + j * 64, 64)],
                        rows_a.at[pl.ds(0, 64)])
        pltpu.sync_copy(rows_a.at[pl.ds(0, 64)],
                        u_hbm.at[c].at[sidx_v.at[j]])

    plsc.subcore_barrier()
    def _g(e, buf, sem):
        return pltpu.async_copy(u_hbm.at[c].at[src_v.at[e]], buf, sem)

    def _gw(e, buf, sem):
        pltpu.make_async_copy(u_hbm.at[c].at[src_v.at[e]], buf, sem).wait()

    def _s(e, buf, sem):
        return pltpu.async_copy(buf, acc_sh.at[dst_v.at[e]], sem, add=True)

    def _sw(e, buf, sem):
        pltpu.make_async_copy(buf, acc_sh.at[dst_v.at[e]], sem).wait()

    @pl.loop(0, 10)
    def _(g):
        pltpu.sync_copy(src_hbm.at[pl.ds(s * 160 + g * 16, 16)], src_v)
        pltpu.sync_copy(dst_hbm.at[pl.ds(s * 160 + g * 16, 16)], dst_v)
        _g(0, rows_a, gsem_a)

        @pl.loop(0, 7)
        def _(q):
            e = 2 * q
            _gw(e, rows_a, gsem_a)
            _g(e + 1, rows_b, gsem_b)
            _s(e, rows_a, ssem_a)
            _gw(e + 1, rows_b, gsem_b)
            _s(e + 1, rows_b, ssem_b)
            _sw(e, rows_a, ssem_a)
            _g(e + 2, rows_a, gsem_a)
            _sw(e + 1, rows_b, ssem_b)

        _gw(14, rows_a, gsem_a)
        _s(14, rows_a, ssem_a)
        _g(15, rows_b, gsem_b)
        _gw(15, rows_b, gsem_b)
        _s(15, rows_b, ssem_b)
        _sw(14, rows_a, ssem_a)
        _sw(15, rows_b, ssem_b)

    plsc.subcore_barrier()

    @pl.loop(0, 5)
    def _(k):
        pltpu.sync_copy(acc_sh.at[pl.ds(r0 + k * 128, 128)], rows_a)
        pltpu.sync_copy(rows_a, agg_hbm.at[c, pl.ds(r0 + k * 128, 128)])


def _sc_high(m, idx_r, src_r, dst_r, zeros_h):
    f = pl.kernel(
        _sc_high_body,
        out_type=[
            jax.ShapeDtypeStruct((2, FP, 128), jnp.float32),
            jax.ShapeDtypeStruct((2, FP, 128), jnp.float32),
        ],
        mesh=_SC_MESH,
        scratch_types=[
            pltpu.VMEM_SHARED((FP, 128), jnp.float32),
            pltpu.VMEM((8, 64), jnp.int32),
            pltpu.VMEM((16, 128), jnp.int32),
            pltpu.VMEM((16, 128), jnp.int32),
            pltpu.VMEM((128, 128), jnp.float32),
            pltpu.VMEM((128, 128), jnp.float32),
            pltpu.SemaphoreType.DMA,
            pltpu.SemaphoreType.DMA,
            pltpu.SemaphoreType.DMA,
            pltpu.SemaphoreType.DMA,
        ],
    )
    return f(m, idx_r, src_r, dst_r, zeros_h)



def _pad_edges(e, total, pad_val, width=None):
    pad = jnp.full((total - e.shape[0],), pad_val, dtype=jnp.int32)
    out = jnp.concatenate([e, pad])
    return out if width is None else out.reshape(total // width, width)


def kernel(x, edge_index_low, edge_index_high, idx,
           W_self1, W_nbr1, b1, W_self2, W_nbr2, b2,
           W_self_skip, W_nbr_skip, b_skip):
    x_pad = jnp.concatenate(
        [x, jnp.zeros((CP - N_LOW, C_IN), jnp.float32)], axis=0)
    w_cat = jnp.concatenate([W_nbr1, W_self1], axis=1)

    src_l = _pad_edges(edge_index_low[0], ELP, LOW_PAD_NODE, 128)
    dst_l = _pad_edges(edge_index_low[1], ELP, LOW_PAD_NODE, 128)
    src_h = _pad_edges(edge_index_high[0], EHP, HIGH_PAD_NODE, 128)
    dst_h = _pad_edges(edge_index_high[1], EHP, HIGH_PAD_NODE, 128)
    idx_r = jnp.concatenate(
        [idx, jnp.full((CP - N_LOW,), IDX_PAD, jnp.int32)]).reshape(16, 5, 64)
    idx_r = jnp.concatenate(
        [idx_r, jnp.full((16, 3, 64), IDX_PAD, jnp.int32)], axis=1)

    zeros_l = jnp.zeros((CP, 128), jnp.float32)
    zeros_h = jnp.zeros((FP, 128), jnp.float32)

    y1, s1 = _tc1(x_pad, w_cat)
    agg_l = _sc_low(y1, src_l, dst_l, zeros_l)
    m = _tc2(x_pad, s1, agg_l, b1.reshape(1, C_MID))
    agg_h, u = _sc_high(m, idx_r, src_h, dst_h, zeros_h)
    out = _tc3(u, agg_h, W_self_skip, W_self2, W_nbr_skip, W_nbr2,
               b2, b_skip)
    return out[:N_HIGH]

# --- scband reference (transcript-rebuilt; emitter-appended) ---
"""Pipeline reference for scband-res-up-13786845020771 (READ-ONLY COPY).

The authoritative reference and input builder live on the scoring server;
editing this copy changes nothing except your own understanding.
"""

import jax, jax.numpy as jnp
import numpy as np

N_LOW = 5000
N_HIGH = 10000
E_LOW = 160000
E_HIGH = 320000
C_IN = 128
C_MID = 64
C_OUT = 128


def setup_inputs(seed: int = 0) -> dict:
    key = jax.random.key(seed)
    ks = jax.random.split(key, 16)
    x = jax.random.normal(ks[0], (N_LOW, C_IN), dtype=jnp.float32)
    edge_index_low = jax.random.randint(ks[1], (2, E_LOW), 0, N_LOW, dtype=jnp.int32)
    edge_index_high = jax.random.randint(ks[2], (2, E_HIGH), 0, N_HIGH, dtype=jnp.int32)
    # unpool index: unique sorted positions of the 5000 coarse nodes within the 10000 fine nodes
    idx = jnp.sort(jax.random.permutation(ks[3], N_HIGH)[:N_LOW]).astype(jnp.int32)

    def init_w(k, fan_in, fan_out):
        return (jax.random.normal(k, (fan_in, fan_out), dtype=jnp.float32) / np.sqrt(fan_in)).astype(jnp.float32)

    params = {
        'W_self1': init_w(ks[4], C_IN, C_MID),
        'W_nbr1': init_w(ks[5], C_IN, C_MID),
        'b1': jnp.zeros((C_MID,), dtype=jnp.float32),
        'W_self2': init_w(ks[6], C_MID, C_OUT),
        'W_nbr2': init_w(ks[7], C_MID, C_OUT),
        'b2': jnp.zeros((C_OUT,), dtype=jnp.float32),
        'W_self_skip': init_w(ks[8], C_IN, C_OUT),
        'W_nbr_skip': init_w(ks[9], C_IN, C_OUT),
        'b_skip': jnp.zeros((C_OUT,), dtype=jnp.float32),
    }
    inp = {'x': x, 'edge_index_low': edge_index_low, 'edge_index_high': edge_index_high, 'idx': idx}
    inp.update(params)
    return inp


def _mpl(x, edge_index, W_self, W_nbr, b, n_nodes):
    # MessagePassingLayer: gather neighbor features along edges, scatter-add to dst,
    # combine with self features through linear transforms, LeakyReLU activation.
    src = edge_index[0]
    dst = edge_index[1]
    msgs = jnp.take(x, src, axis=0)
    agg = jax.ops.segment_sum(msgs, dst, num_segments=n_nodes)
    return jax.nn.leaky_relu(x @ W_self + agg @ W_nbr + b)


def _unpool(h, pre_node_num, idx):
    # Unpool.forward: new_h = zeros([pre_node_num, d]); new_h[idx] = h
    new_h = jnp.zeros((pre_node_num, h.shape[-1]), dtype=h.dtype)
    return new_h.at[idx].set(h)


def reference(x, edge_index_low, edge_index_high, idx,
              W_self1, W_nbr1, b1, W_self2, W_nbr2, b2,
              W_self_skip, W_nbr_skip, b_skip):
    # skip branch: unpool then mpl_skip on the fine (up-pooled) graph
    x_up_skip = _unpool(x, N_HIGH, idx)
    b_skip_x = _mpl(x_up_skip, edge_index_high, W_self_skip, W_nbr_skip, b_skip, N_HIGH)
    # main branch: mpl1 on coarse graph, unpool, mpl2 on fine graph
    h = _mpl(x, edge_index_low, W_self1, W_nbr1, b1, N_LOW)
    h = _unpool(h, N_HIGH, idx)
    h = _mpl(h, edge_index_high, W_self2, W_nbr2, b2, N_HIGH)
    # residual combine + LeakyReLU (act1)
    return jax.nn.leaky_relu(h + b_skip_x)

if __name__ == "__main__":
    import jax
    _d = setup_inputs()
    print(jax.jit(kernel)(*tuple(_d.values())))

</pallas_src>

<mosaic_0001>
#map = affine_map<(d0, d1) -> (0, 0, 0)>
#map1 = affine_map<(d0, d1) -> (0, 0)>
module attributes {stable_mosaic.version = 14 : i64} {
  func.func @_sc_high_body(%arg0: i32, %arg1: i32, %arg2: memref<2x5120x128xf32, #tpu.memory_space<hbm>>, %arg3: memref<16x8x64xi32, #tpu.memory_space<hbm>>, %arg4: memref<2560x128xi32, #tpu.memory_space<hbm>>, %arg5: memref<2560x128xi32, #tpu.memory_space<hbm>>, %arg6: memref<10240x128xf32, #tpu.memory_space<hbm>>, %arg7: memref<2x10240x128xf32, #tpu.memory_space<hbm>>, %arg8: memref<2x10240x128xf32, #tpu.memory_space<hbm>>, %arg9: memref<10240x128xf32, #tpu.memory_space<vmem_shared>>, %arg10: memref<8x64xi32, #tpu.memory_space<vmem>>, %arg11: memref<16x128xi32, #tpu.memory_space<vmem>>, %arg12: memref<16x128xi32, #tpu.memory_space<vmem>>, %arg13: memref<128x128xf32, #tpu.memory_space<vmem>>, %arg14: memref<128x128xf32, #tpu.memory_space<vmem>>, %arg15: memref<!tpu.dma_semaphore, #tpu.memory_space<semaphore_mem>>, %arg16: memref<!tpu.dma_semaphore, #tpu.memory_space<semaphore_mem>>, %arg17: memref<!tpu.dma_semaphore, #tpu.memory_space<semaphore_mem>>, %arg18: memref<!tpu.dma_semaphore, #tpu.memory_space<semaphore_mem>>) attributes {dimension_semantics = [#tpu.dimension_semantics<core_parallel>, #tpu.dimension_semantics<subcore_parallel>], iteration_bounds = array<i64: 2, 16>, scalar_prefetch = 0 : i64, scratch_operands = 10 : i64, tpu.core_type = #tpu.core_type<sc_vector_subcore>, window_params = [{transform_indices = #map}, {transform_indices = #map}, {transform_indices = #map1}, {transform_indices = #map1}, {transform_indices = #map1}, {transform_indices = #map}, {transform_indices = #map}]} {
    %mul3A = arith.constant 640 : i32
    %mul3A_0 = arith.muli %arg1, %mul3A : i32
    "tpu.region"() ({
      %run_scoped3A = tpu.sem_alloc : memref<!tpu.dma_semaphore, #tpu.memory_space<semaphore_mem>>
      %dma_start3A = arith.constant 0 : i32
      %dma_start3A_22 = arith.constant 0 : i32
      %dma_start3A_23 = tpu.memref_slice %arg6[%dma_start3A, %dma_start3A_22] : memref<10240x128xf32, #tpu.memory_space<hbm>> -> memref<128x128xf32, #tpu.memory_space<hbm>>
      %dma_start3A_24 = arith.constant 0 : i32
      %dma_start3A_25 = arith.constant 0 : i32
      %dma_start3A_26 = tpu.memref_slice %arg6[%dma_start3A_24, %dma_start3A_25] : memref<10240x128xf32, #tpu.memory_space<hbm>> -> memref<128x128xf32, #tpu.memory_space<hbm>>
      tpu.enqueue_dma source(%dma_start3A_26 : memref<128x128xf32, #tpu.memory_space<hbm>>) target(%arg13 : memref<128x128xf32, #tpu.memory_space<vmem>>) target_semaphore(%run_scoped3A : memref<!tpu.dma_semaphore, #tpu.memory_space<semaphore_mem>>)
      %dma_wait3A = arith.constant 0 : i32
      %dma_wait3A_27 = arith.constant 0 : i32
      %dma_wait3A_28 = tpu.memref_slice %arg6[%dma_wait3A, %dma_wait3A_27] : memref<10240x128xf32, #tpu.memory_space<hbm>> -> memref<128x128xf32, #tpu.memory_space<hbm>>
      %dma_wait3A_29 = arith.constant 0 : i32
      %dma_wait3A_30 = arith.constant 0 : i32
      %dma_wait3A_31 = tpu.memref_slice %arg6[%dma_wait3A_29, %dma_wait3A_30] : memref<10240x128xf32, #tpu.memory_space<hbm>> -> memref<128x128xf32, #tpu.memory_space<hbm>>
      tpu.wait_dma2 semaphore(%run_scoped3A : memref<!tpu.dma_semaphore, #tpu.memory_space<semaphore_mem>>) src(%dma_wait3A_31 : memref<128x128xf32, #tpu.memory_space<hbm>>) dst(%arg13 : memref<128x128xf32, #tpu.memory_space<vmem>>)
      tpu.yield
    }) : () -> ()
    %scan3A = arith.constant 0 : i32
    %scan3A_1 = arith.constant 5 : i32
    %scan3A_2 = arith.addi %scan3A, %scan3A_1 : i32
    %scan3A_3 = arith.constant 1 : i32
    scf.for %scan3A_22 = %scan3A to %scan3A_2 step %scan3A_3  : i32 {
      %mul3A_23 = arith.constant 1 : i32
      %mul3A_24 = arith.muli %scan3A_22, %mul3A_23 : i32
      %add3A = arith.constant 0 : i32
      %add3A_25 = arith.addi %add3A, %mul3A_24 : i32
      %mul3A_26 = arith.constant 128 : i32
      %mul3A_27 = arith.muli %add3A_25, %mul3A_26 : i32
      %add3A_28 = arith.addi %mul3A_0, %mul3A_27 : i32
      "tpu.region"() ({
        %run_scoped3A = tpu.sem_alloc : memref<!tpu.dma_semaphore, #tpu.memory_space<semaphore_mem>>
        %dma_start3A = arith.constant 0 : i32
        %dma_start3A_32 = tpu.memref_slice %arg9[%add3A_28, %dma_start3A] : memref<10240x128xf32, #tpu.memory_space<vmem_shared>> -> memref<128x128xf32, #tpu.memory_space<vmem_shared>>
        %dma_start3A_33 = arith.constant 0 : i32
        %dma_start3A_34 = tpu.memref_slice %arg9[%add3A_28, %dma_start3A_33] : memref<10240x128xf32, #tpu.memory_space<vmem_shared>> -> memref<128x128xf32, #tpu.memory_space<vmem_shared>>
        tpu.enqueue_dma source(%arg13 : memref<128x128xf32, #tpu.memory_space<vmem>>) target(%dma_start3A_34 : memref<128x128xf32, #tpu.memory_space<vmem_shared>>) target_semaphore(%run_scoped3A : memref<!tpu.dma_semaphore, #tpu.memory_space<semaphore_mem>>)
        %dma_wait3A = arith.constant 0 : i32
        %dma_wait3A_35 = tpu.memref_slice %arg9[%add3A_28, %dma_wait3A] : memref<10240x128xf32, #tpu.memory_space<vmem_shared>> -> memref<128x128xf32, #tpu.memory_space<vmem_shared>>
        %dma_wait3A_36 = arith.constant 0 : i32
        %dma_wait3A_37 = tpu.memref_slice %arg9[%add3A_28, %dma_wait3A_36] : memref<10240x128xf32, #tpu.memory_space<vmem_shared>> -> memref<128x128xf32, #tpu.memory_space<vmem_shared>>
        tpu.wait_dma2 semaphore(%run_scoped3A : memref<!tpu.dma_semaphore, #tpu.memory_space<semaphore_mem>>) src(%arg13 : memref<128x128xf32, #tpu.memory_space<vmem>>) dst(%dma_wait3A_37 : memref<128x128xf32, #tpu.memory_space<vmem_shared>>)
        tpu.yield
      }) : () -> ()
      %mul3A_29 = arith.constant 128 : i32
      %mul3A_30 = arith.muli %add3A_25, %mul3A_29 : i32
      %add3A_31 = arith.addi %mul3A_0, %mul3A_30 : i32
      "tpu.region"() ({
        %run_scoped3A = tpu.sem_alloc : memref<!tpu.dma_semaphore, #tpu.memory_space<semaphore_mem>>
        %dma_start3A = arith.constant 0 : i32
        %dma_start3A_32 = tpu.memref_slice %arg8[%arg0, %add3A_31, %dma_start3A] : memref<2x10240x128xf32, #tpu.memory_space<hbm>> -> memref<1x128x128xf32, #tpu.memory_space<hbm>>
        %dma_start3A_33 = tpu.memref_squeeze %dma_start3A_32 : memref<1x128x128xf32, #tpu.memory_space<hbm>> -> memref<128x128xf32, #tpu.memory_space<hbm>>
        %dma_start3A_34 = arith.constant 0 : i32
        %dma_start3A_35 = tpu.memref_slice %arg8[%arg0, %add3A_31, %dma_start3A_34] : memref<2x10240x128xf32, #tpu.memory_space<hbm>> -> memref<1x128x128xf32, #tpu.memory_space<hbm>>
        %dma_start3A_36 = tpu.memref_squeeze %dma_start3A_35 : memref<1x128x128xf32, #tpu.memory_space<hbm>> -> memref<128x128xf32, #tpu.memory_space<hbm>>
        tpu.enqueue_dma source(%arg13 : memref<128x128xf32, #tpu.memory_space<vmem>>) target(%dma_start3A_36 : memref<128x128xf32, #tpu.memory_space<hbm>>) target_semaphore(%run_scoped3A : memref<!tpu.dma_semaphore, #tpu.memory_space<semaphore_mem>>)
        %dma_wait3A = arith.constant 0 : i32
        %dma_wait3A_37 = tpu.memref_slice %arg8[%arg0, %add3A_31, %dma_wait3A] : memref<2x10240x128xf32, #tpu.memory_space<hbm>> -> memref<1x128x128xf32, #tpu.memory_space<hbm>>
        %dma_wait3A_38 = tpu.memref_squeeze %dma_wait3A_37 : memref<1x128x128xf32, #tpu.memory_space<hbm>> -> memref<128x128xf32, #tpu.memory_space<hbm>>
        %dma_wait3A_39 = arith.constant 0 : i32
        %dma_wait3A_40 = tpu.memref_slice %arg8[%arg0, %add3A_31, %dma_wait3A_39] : memref<2x10240x128xf32, #tpu.memory_space<hbm>> -> memref<1x128x128xf32, #tpu.memory_space<hbm>>
        %dma_wait3A_41 = tpu.memref_squeeze %dma_wait3A_40 : memref<1x128x128xf32, #tpu.memory_space<hbm>> -> memref<128x128xf32, #tpu.memory_space<hbm>>
        tpu.wait_dma2 semaphore(%run_scoped3A : memref<!tpu.dma_semaphore, #tpu.memory_space<semaphore_mem>>) src(%arg13 : memref<128x128xf32, #tpu.memory_space<vmem>>) dst(%dma_wait3A_41 : memref<128x128xf32, #tpu.memory_space<hbm>>)
        tpu.yield
      }) : () -> ()
    }
    %scan3A_4 = arith.constant 5 : i32
    %barrier3A = arith.constant 0 : index
    tpu.barrier barrier_id(%barrier3A)
    "tpu.region"() ({
      %run_scoped3A = tpu.sem_alloc : memref<!tpu.dma_semaphore, #tpu.memory_space<semaphore_mem>>
      %dma_start3A = arith.constant 0 : i32
      %dma_start3A_22 = arith.constant 0 : i32
      %dma_start3A_23 = tpu.memref_slice %arg3[%arg1, %dma_start3A, %dma_start3A_22] : memref<16x8x64xi32, #tpu.memory_space<hbm>> -> memref<1x8x64xi32, #tpu.memory_space<hbm>>
      %dma_start3A_24 = tpu.memref_squeeze %dma_start3A_23 : memref<1x8x64xi32, #tpu.memory_space<hbm>> -> memref<8x64xi32, #tpu.memory_space<hbm>>
      %dma_start3A_25 = arith.constant 0 : i32
      %dma_start3A_26 = arith.constant 0 : i32
      %dma_start3A_27 = tpu.memref_slice %arg3[%arg1, %dma_start3A_25, %dma_start3A_26] : memref<16x8x64xi32, #tpu.memory_space<hbm>> -> memref<1x8x64xi32, #tpu.memory_space<hbm>>
      %dma_start3A_28 = tpu.memref_squeeze %dma_start3A_27 : memref<1x8x64xi32, #tpu.memory_space<hbm>> -> memref<8x64xi32, #tpu.memory_space<hbm>>
      tpu.enqueue_dma source(%dma_start3A_28 : memref<8x64xi32, #tpu.memory_space<hbm>>) target(%arg10 : memref<8x64xi32, #tpu.memory_space<vmem>>) target_semaphore(%run_scoped3A : memref<!tpu.dma_semaphore, #tpu.memory_space<semaphore_mem>>)
      %dma_wait3A = arith.constant 0 : i32
      %dma_wait3A_29 = arith.constant 0 : i32
      %dma_wait3A_30 = tpu.memref_slice %arg3[%arg1, %dma_wait3A, %dma_wait3A_29] : memref<16x8x64xi32, #tpu.memory_space<hbm>> -> memref<1x8x64xi32, #tpu.memory_space<hbm>>
      %dma_wait3A_31 = tpu.memref_squeeze %dma_wait3A_30 : memref<1x8x64xi32, #tpu.memory_space<hbm>> -> memref<8x64xi32, #tpu.memory_space<hbm>>
      %dma_wait3A_32 = arith.constant 0 : i32
      %dma_wait3A_33 = arith.constant 0 : i32
      %dma_wait3A_34 = tpu.memref_slice %arg3[%arg1, %dma_wait3A_32, %dma_wait3A_33] : memref<16x8x64xi32, #tpu.memory_space<hbm>> -> memref<1x8x64xi32, #tpu.memory_space<hbm>>
      %dma_wait3A_35 = tpu.memref_squeeze %dma_wait3A_34 : memref<1x8x64xi32, #tpu.memory_space<hbm>> -> memref<8x64xi32, #tpu.memory_space<hbm>>
      tpu.wait_dma2 semaphore(%run_scoped3A : memref<!tpu.dma_semaphore, #tpu.memory_space<semaphore_mem>>) src(%dma_wait3A_35 : memref<8x64xi32, #tpu.memory_space<hbm>>) dst(%arg10 : memref<8x64xi32, #tpu.memory_space<vmem>>)
      tpu.yield
    }) : () -> ()
    %scan3A_5 = arith.constant 0 : i32
    %scan3A_6 = arith.constant 5 : i32
    %scan3A_7 = arith.addi %scan3A_5, %scan3A_6 : i32
    %scan3A_8 = arith.constant 1 : i32
    scf.for %scan3A_22 = %scan3A_5 to %scan3A_7 step %scan3A_8  : i32 {
      %mul3A_23 = arith.constant 1 : i32
      %mul3A_24 = arith.muli %scan3A_22, %mul3A_23 : i32
      %add3A = arith.constant 0 : i32
      %add3A_25 = arith.addi %add3A, %mul3A_24 : i32
      %mul3A_26 = arith.constant 320 : i32
      %mul3A_27 = arith.muli %arg1, %mul3A_26 : i32
      %mul3A_28 = arith.constant 64 : i32
      %mul3A_29 = arith.muli %add3A_25, %mul3A_28 : i32
      %add3A_30 = arith.addi %mul3A_27, %mul3A_29 : i32
      "tpu.region"() ({
        %run_scoped3A = tpu.sem_alloc : memref<!tpu.dma_semaphore, #tpu.memory_space<semaphore_mem>>
        %dma_start3A = arith.constant 0 : i32
        %dma_start3A_31 = arith.constant 0 : i32
        %dma_start3A_32 = tpu.memref_slice %arg13[%dma_start3A, %dma_start3A_31] : memref<128x128xf32, #tpu.memory_space<vmem>> -> memref<64x128xf32, #tpu.memory_space<vmem>>
        %dma_start3A_33 = arith.constant 0 : i32
        %dma_start3A_34 = tpu.memref_slice %arg2[%arg0, %add3A_30, %dma_start3A_33] : memref<2x5120x128xf32, #tpu.memory_space<hbm>> -> memref<1x64x128xf32, #tpu.memory_space<hbm>>
        %dma_start3A_35 = tpu.memref_squeeze %dma_start3A_34 : memref<1x64x128xf32, #tpu.memory_space<hbm>> -> memref<64x128xf32, #tpu.memory_space<hbm>>
        %dma_start3A_36 = arith.constant 0 : i32
        %dma_start3A_37 = arith.constant 0 : i32
        %dma_start3A_38 = tpu.memref_slice %arg13[%dma_start3A_36, %dma_start3A_37] : memref<128x128xf32, #tpu.memory_space<vmem>> -> memref<64x128xf32, #tpu.memory_space<vmem>>
        %dma_start3A_39 = arith.constant 0 : i32
        %dma_start3A_40 = tpu.memref_slice %arg2[%arg0, %add3A_30, %dma_start3A_39] : memref<2x5120x128xf32, #tpu.memory_space<hbm>> -> memref<1x64x128xf32, #tpu.memory_space<hbm>>
        %dma_start3A_41 = tpu.memref_squeeze %dma_start3A_40 : memref<1x64x128xf32, #tpu.memory_space<hbm>> -> memref<64x128xf32, #tpu.memory_space<hbm>>
        tpu.enqueue_dma source(%dma_start3A_41 : memref<64x128xf32, #tpu.memory_space<hbm>>) target(%dma_start3A_38 : memref<64x128xf32, #tpu.memory_space<vmem>>) target_semaphore(%run_scoped3A : memref<!tpu.dma_semaphore, #tpu.memory_space<semaphore_mem>>)
        %dma_wait3A = arith.constant 0 : i32
        %dma_wait3A_42 = arith.constant 0 : i32
        %dma_wait3A_43 = tpu.memref_slice %arg13[%dma_wait3A, %dma_wait3A_42] : memref<128x128xf32, #tpu.memory_space<vmem>> -> memref<64x128xf32, #tpu.memory_space<vmem>>
        %dma_wait3A_44 = arith.constant 0 : i32
        %dma_wait3A_45 = tpu.memref_slice %arg2[%arg0, %add3A_30, %dma_wait3A_44] : memref<2x5120x128xf32, #tpu.memory_space<hbm>> -> memref<1x64x128xf32, #tpu.memory_space<hbm>>
        %dma_wait3A_46 = tpu.memref_squeeze %dma_wait3A_45 : memref<1x64x128xf32, #tpu.memory_space<hbm>> -> memref<64x128xf32, #tpu.memory_space<hbm>>
        %dma_wait3A_47 = arith.constant 0 : i32
        %dma_wait3A_48 = arith.constant 0 : i32
        %dma_wait3A_49 = tpu.memref_slice %arg13[%dma_wait3A_47, %dma_wait3A_48] : memref<128x128xf32, #tpu.memory_space<vmem>> -> memref<64x128xf32, #tpu.memory_space<vmem>>
        %dma_wait3A_50 = arith.constant 0 : i32
        %dma_wait3A_51 = tpu.memref_slice %arg2[%arg0, %add3A_30, %dma_wait3A_50] : memref<2x5120x128xf32, #tpu.memory_space<hbm>> -> memref<1x64x128xf32, #tpu.memory_space<hbm>>
        %dma_wait3A_52 = tpu.memref_squeeze %dma_wait3A_51 : memref<1x64x128xf32, #tpu.memory_space<hbm>> -> memref<64x128xf32, #tpu.memory_space<hbm>>
        tpu.wait_dma2 semaphore(%run_scoped3A : memref<!tpu.dma_semaphore, #tpu.memory_space<semaphore_mem>>) src(%dma_wait3A_52 : memref<64x128xf32, #tpu.memory_space<hbm>>) dst(%dma_wait3A_49 : memref<64x128xf32, #tpu.memory_space<vmem>>)
        tpu.yield
      }) : () -> ()
      "tpu.region"() ({
        %run_scoped3A = tpu.sem_alloc : memref<!tpu.dma_semaphore, #tpu.memory_space<semaphore_mem>>
        %dma_start3A = arith.constant 0 : i32
        %dma_start3A_31 = arith.constant 0 : i32
        %dma_start3A_32 = tpu.memref_slice %arg13[%dma_start3A, %dma_start3A_31] : memref<128x128xf32, #tpu.memory_space<vmem>> -> memref<64x128xf32, #tpu.memory_space<vmem>>
        %dma_start3A_33 = arith.constant 0 : i32
        %dma_start3A_34 = tpu.memref_slice %arg10[%add3A_25, %dma_start3A_33] : memref<8x64xi32, #tpu.memory_space<vmem>> -> memref<1x64xi32, #tpu.memory_space<vmem>>
        %dma_start3A_35 = tpu.memref_squeeze %dma_start3A_34 : memref<1x64xi32, #tpu.memory_space<vmem>> -> memref<64xi32, #tpu.memory_space<vmem>>
        %dma_start3A_36 = arith.constant 0 : i32
        %dma_start3A_37 = arith.constant 0 : i32
        %dma_start3A_38 = tpu.memref_slice %arg8[%arg0, %dma_start3A_36, %dma_start3A_37] : memref<2x10240x128xf32, #tpu.memory_space<hbm>> -> memref<1x10240x128xf32, #tpu.memory_space<hbm>>
        %dma_start3A_39 = tpu.memref_squeeze %dma_start3A_38 : memref<1x10240x128xf32, #tpu.memory_space<hbm>> -> memref<10240x128xf32, #tpu.memory_space<hbm>>
        %dma_start3A_40 = arith.constant 0 : i32
        %dma_start3A_41 = arith.constant 0 : i32
        %dma_start3A_42 = tpu.memref_slice %dma_start3A_39[%dma_start3A_40, %dma_start3A_41] : memref<10240x128xf32, #tpu.memory_space<hbm>> -> memref<10240x128xf32, #tpu.memory_space<hbm>>
        tpu.enqueue_indirect_dma source(%dma_start3A_32 : memref<64x128xf32, #tpu.memory_space<vmem>>) target(%dma_start3A_42 : memref<10240x128xf32, #tpu.memory_space<hbm>>) offsets(%dma_start3A_35 : memref<64xi32, #tpu.memory_space<vmem>>) semaphore(%run_scoped3A : memref<!tpu.dma_semaphore, #tpu.memory_space<semaphore_mem>>)
        %dma_wait3A = arith.constant 0 : i32
        %dma_wait3A_43 = arith.constant 0 : i32
        %dma_wait3A_44 = tpu.memref_slice %arg13[%dma_wait3A, %dma_wait3A_43] : memref<128x128xf32, #tpu.memory_space<vmem>> -> memref<64x128xf32, #tpu.memory_space<vmem>>
        %dma_wait3A_45 = arith.constant 0 : i32
        %dma_wait3A_46 = tpu.memref_slice %arg10[%add3A_25, %dma_wait3A_45] : memref<8x64xi32, #tpu.memory_space<vmem>> -> memref<1x64xi32, #tpu.memory_space<vmem>>
        %dma_wait3A_47 = tpu.memref_squeeze %dma_wait3A_46 : memref<1x64xi32, #tpu.memory_space<vmem>> -> memref<64xi32, #tpu.memory_space<vmem>>
        %dma_wait3A_48 = arith.constant 0 : i32
        %dma_wait3A_49 = arith.constant 0 : i32
        %dma_wait3A_50 = tpu.memref_slice %arg8[%arg0, %dma_wait3A_48, %dma_wait3A_49] : memref<2x10240x128xf32, #tpu.memory_space<hbm>> -> memref<1x10240x128xf32, #tpu.memory_space<hbm>>
        %dma_wait3A_51 = tpu.memref_squeeze %dma_wait3A_50 : memref<1x10240x128xf32, #tpu.memory_space<hbm>> -> memref<10240x128xf32, #tpu.memory_space<hbm>>
        %dma_wait3A_52 = arith.constant 0 : i32
        %dma_wait3A_53 = arith.constant 0 : i32
        %dma_wait3A_54 = tpu.memref_slice %dma_wait3A_51[%dma_wait3A_52, %dma_wait3A_53] : memref<10240x128xf32, #tpu.memory_space<hbm>> -> memref<10240x128xf32, #tpu.memory_space<hbm>>
        tpu.wait_indirect_dma semaphore(%run_scoped3A : memref<!tpu.dma_semaphore, #tpu.memory_space<semaphore_mem>>) src(%dma_wait3A_44 : memref<64x128xf32, #tpu.memory_space<vmem>>) dst(%dma_wait3A_54 : memref<10240x128xf32, #tpu.memory_space<hbm>>)
        tpu.yield
      }) : () -> ()
    }
    %scan3A_9 = arith.constant 5 : i32
    %barrier3A_10 = arith.constant 0 : index
    tpu.barrier barrier_id(%barrier3A_10)
    %scan3A_11 = arith.constant 0 : i32
    %scan3A_12 = arith.constant 10 : i32
    %scan3A_13 = arith.addi %scan3A_11, %scan3A_12 : i32
    %scan3A_14 = arith.constant 1 : i32
    scf.for %scan3A_22 = %scan3A_11 to %scan3A_13 step %scan3A_14  : i32 {
      %mul3A_23 = arith.constant 1 : i32
      %mul3A_24 = arith.muli %scan3A_22, %mul3A_23 : i32
      %add3A = arith.constant 0 : i32
      %add3A_25 = arith.addi %add3A, %mul3A_24 : i32
      %mul3A_26 = arith.constant 160 : i32
      %mul3A_27 = arith.muli %arg1, %mul3A_26 : i32
      %mul3A_28 = arith.constant 16 : i32
      %mul3A_29 = arith.muli %add3A_25, %mul3A_28 : i32
      %add3A_30 = arith.addi %mul3A_27, %mul3A_29 : i32
      "tpu.region"() ({
        %run_scoped3A = tpu.sem_alloc : memref<!tpu.dma_semaphore, #tpu.memory_space<semaphore_mem>>
        %dma_start3A_111 = arith.constant 0 : i32
        %dma_start3A_112 = tpu.memref_slice %arg4[%add3A_30, %dma_start3A_111] : memref<2560x128xi32, #tpu.memory_space<hbm>> -> memref<16x128xi32, #tpu.memory_space<hbm>>
        %dma_start3A_113 = arith.constant 0 : i32
        %dma_start3A_114 = tpu.memref_slice %arg4[%add3A_30, %dma_start3A_113] : memref<2560x128xi32, #tpu.memory_space<hbm>> -> memref<16x128xi32, #tpu.memory_space<hbm>>
        tpu.enqueue_dma source(%dma_start3A_114 : memref<16x128xi32, #tpu.memory_space<hbm>>) target(%arg11 : memref<16x128xi32, #tpu.memory_space<vmem>>) target_semaphore(%run_scoped3A : memref<!tpu.dma_semaphore, #tpu.memory_space<semaphore_mem>>)
        %dma_wait3A_115 = arith.constant 0 : i32
        %dma_wait3A_116 = tpu.memref_slice %arg4[%add3A_30, %dma_wait3A_115] : memref<2560x128xi32, #tpu.memory_space<hbm>> -> memref<16x128xi32, #tpu.memory_space<hbm>>
        %dma_wait3A_117 = arith.constant 0 : i32
        %dma_wait3A_118 = tpu.memref_slice %arg4[%add3A_30, %dma_wait3A_117] : memref<2560x128xi32, #tpu.memory_space<hbm>> -> memref<16x128xi32, #tpu.memory_space<hbm>>
        tpu.wait_dma2 semaphore(%run_scoped3A : memref<!tpu.dma_semaphore, #tpu.memory_space<semaphore_mem>>) src(%dma_wait3A_118 : memref<16x128xi32, #tpu.memory_space<hbm>>) dst(%arg11 : memref<16x128xi32, #tpu.memory_space<vmem>>)
        tpu.yield
      }) : () -> ()
      %mul3A_31 = arith.constant 160 : i32
      %mul3A_32 = arith.muli %arg1, %mul3A_31 : i32
      %mul3A_33 = arith.constant 16 : i32
      %mul3A_34 = arith.muli %add3A_25, %mul3A_33 : i32
      %add3A_35 = arith.addi %mul3A_32, %mul3A_34 : i32
      "tpu.region"() ({
        %run_scoped3A = tpu.sem_alloc : memref<!tpu.dma_semaphore, #tpu.memory_space<semaphore_mem>>
        %dma_start3A_111 = arith.constant 0 : i32
        %dma_start3A_112 = tpu.memref_slice %arg5[%add3A_35, %dma_start3A_111] : memref<2560x128xi32, #tpu.memory_space<hbm>> -> memref<16x128xi32, #tpu.memory_space<hbm>>
        %dma_start3A_113 = arith.constant 0 : i32
        %dma_start3A_114 = tpu.memref_slice %arg5[%add3A_35, %dma_start3A_113] : memref<2560x128xi32, #tpu.memory_space<hbm>> -> memref<16x128xi32, #tpu.memory_space<hbm>>
        tpu.enqueue_dma source(%dma_start3A_114 : memref<16x128xi32, #tpu.memory_space<hbm>>) target(%arg12 : memref<16x128xi32, #tpu.memory_space<vmem>>) target_semaphore(%run_scoped3A : memref<!tpu.dma_semaphore, #tpu.memory_space<semaphore_mem>>)
        %dma_wait3A_115 = arith.constant 0 : i32
        %dma_wait3A_116 = tpu.memref_slice %arg5[%add3A_35, %dma_wait3A_115] : memref<2560x128xi32, #tpu.memory_space<hbm>> -> memref<16x128xi32, #tpu.memory_space<hbm>>
        %dma_wait3A_117 = arith.constant 0 : i32
        %dma_wait3A_118 = tpu.memref_slice %arg5[%add3A_35, %dma_wait3A_117] : memref<2560x128xi32, #tpu.memory_space<hbm>> -> memref<16x128xi32, #tpu.memory_space<hbm>>
        tpu.wait_dma2 semaphore(%run_scoped3A : memref<!tpu.dma_semaphore, #tpu.memory_space<semaphore_mem>>) src(%dma_wait3A_118 : memref<16x128xi32, #tpu.memory_space<hbm>>) dst(%arg12 : memref<16x128xi32, #tpu.memory_space<vmem>>)
        tpu.yield
      }) : () -> ()
      %dma_start3A = arith.constant 0 : i32
      %dma_start3A_36 = arith.constant 0 : i32
      %dma_start3A_37 = tpu.memref_slice %arg11[%dma_start3A, %dma_start3A_36] : memref<16x128xi32, #tpu.memory_space<vmem>> -> memref<1x128xi32, #tpu.memory_space<vmem>>
      %dma_start3A_38 = tpu.memref_squeeze %dma_start3A_37 : memref<1x128xi32, #tpu.memory_space<vmem>> -> memref<128xi32, #tpu.memory_space<vmem>>
      %dma_start3A_39 = arith.constant 0 : i32
      %dma_start3A_40 = arith.constant 0 : i32
      %dma_start3A_41 = tpu.memref_slice %arg8[%arg0, %dma_start3A_39, %dma_start3A_40] : memref<2x10240x128xf32, #tpu.memory_space<hbm>> -> memref<1x10240x128xf32, #tpu.memory_space<hbm>>
      %dma_start3A_42 = tpu.memref_squeeze %dma_start3A_41 : memref<1x10240x128xf32, #tpu.memory_space<hbm>> -> memref<10240x128xf32, #tpu.memory_space<hbm>>
      %dma_start3A_43 = arith.constant 0 : i32
      %dma_start3A_44 = arith.constant 0 : i32
      %dma_start3A_45 = tpu.memref_slice %dma_start3A_42[%dma_start3A_43, %dma_start3A_44] : memref<10240x128xf32, #tpu.memory_space<hbm>> -> memref<10240x128xf32, #tpu.memory_space<hbm>>
      tpu.enqueue_indirect_dma source(%dma_start3A_45 : memref<10240x128xf32, #tpu.memory_space<hbm>>) target(%arg13 : memref<128x128xf32, #tpu.memory_space<vmem>>) offsets(%dma_start3A_38 : memref<128xi32, #tpu.memory_space<vmem>>) semaphore(%arg15 : memref<!tpu.dma_semaphore, #tpu.memory_space<semaphore_mem>>)
      %scan3A_46 = arith.constant 0 : i32
      %scan3A_47 = arith.constant 7 : i32
      %scan3A_48 = arith.addi %scan3A_46, %scan3A_47 : i32
      %scan3A_49 = arith.constant 1 : i32
      scf.for %scan3A_111 = %scan3A_46 to %scan3A_48 step %scan3A_49  : i32 {
        %mul3A_112 = arith.constant 1 : i32
        %mul3A_113 = arith.muli %scan3A_111, %mul3A_112 : i32
        %add3A_114 = arith.constant 0 : i32
        %add3A_115 = arith.addi %add3A_114, %mul3A_113 : i32
        %mul3A_116 = arith.constant 2 : i32
        %mul3A_117 = arith.muli %mul3A_116, %add3A_115 : i32
        %dma_wait3A_118 = arith.constant 0 : i32
        %dma_wait3A_119 = tpu.memref_slice %arg11[%mul3A_117, %dma_wait3A_118] : memref<16x128xi32, #tpu.memory_space<vmem>> -> memref<1x128xi32, #tpu.memory_space<vmem>>
        %dma_wait3A_120 = tpu.memref_squeeze %dma_wait3A_119 : memref<1x128xi32, #tpu.memory_space<vmem>> -> memref<128xi32, #tpu.memory_space<vmem>>
        %dma_wait3A_121 = arith.constant 0 : i32
        %dma_wait3A_122 = arith.constant 0 : i32
        %dma_wait3A_123 = tpu.memref_slice %arg8[%arg0, %dma_wait3A_121, %dma_wait3A_122] : memref<2x10240x128xf32, #tpu.memory_space<hbm>> -> memref<1x10240x128xf32, #tpu.memory_space<hbm>>
        %dma_wait3A_124 = tpu.memref_squeeze %dma_wait3A_123 : memref<1x10240x128xf32, #tpu.memory_space<hbm>> -> memref<10240x128xf32, #tpu.memory_space<hbm>>
        %dma_wait3A_125 = arith.constant 0 : i32
        %dma_wait3A_126 = arith.constant 0 : i32
        %dma_wait3A_127 = tpu.memref_slice %dma_wait3A_124[%dma_wait3A_125, %dma_wait3A_126] : memref<10240x128xf32, #tpu.memory_space<hbm>> -> memref<10240x128xf32, #tpu.memory_space<hbm>>
        tpu.wait_indirect_dma semaphore(%arg15 : memref<!tpu.dma_semaphore, #tpu.memory_space<semaphore_mem>>) src(%dma_wait3A_127 : memref<10240x128xf32, #tpu.memory_space<hbm>>) dst(%arg13 : memref<128x128xf32, #tpu.memory_space<vmem>>)
        %add3A_128 = arith.constant 1 : i32
        %add3A_129 = arith.addi %mul3A_117, %add3A_128 : i32
        %dma_start3A_130 = arith.constant 0 : i32
        %dma_start3A_131 = tpu.memref_slice %arg11[%add3A_129, %dma_start3A_130] : memref<16x128xi32, #tpu.memory_space<vmem>> -> memref<1x128xi32, #tpu.memory_space<vmem>>
        %dma_start3A_132 = tpu.memref_squeeze %dma_start3A_131 : memref<1x128xi32, #tpu.memory_space<vmem>> -> memref<128xi32, #tpu.memory_space<vmem>>
        %dma_start3A_133 = arith.constant 0 : i32
        %dma_start3A_134 = arith.constant 0 : i32
        %dma_start3A_135 = tpu.memref_slice %arg8[%arg0, %dma_start3A_133, %dma_start3A_134] : memref<2x10240x128xf32, #tpu.memory_space<hbm>> -> memref<1x10240x128xf32, #tpu.memory_space<hbm>>
        %dma_start3A_136 = tpu.memref_squeeze %dma_start3A_135 : memref<1x10240x128xf32, #tpu.memory_space<hbm>> -> memref<10240x128xf32, #tpu.memory_space<hbm>>
        %dma_start3A_137 = arith.constant 0 : i32
        %dma_start3A_138 = arith.constant 0 : i32
        %dma_start3A_139 = tpu.memref_slice %dma_start3A_136[%dma_start3A_137, %dma_start3A_138] : memref<10240x128xf32, #tpu.memory_space<hbm>> -> memref<10240x128xf32, #tpu.memory_space<hbm>>
        tpu.enqueue_indirect_dma source(%dma_start3A_139 : memref<10240x128xf32, #tpu.memory_space<hbm>>) target(%arg14 : memref<128x128xf32, #tpu.memory_space<vmem>>) offsets(%dma_start3A_132 : memref<128xi32, #tpu.memory_space<vmem>>) semaphore(%arg16 : memref<!tpu.dma_semaphore, #tpu.memory_space<semaphore_mem>>)
        %dma_start3A_140 = arith.constant 0 : i32
        %dma_start3A_141 = tpu.memref_slice %arg12[%mul3A_117, %dma_start3A_140] : memref<16x128xi32, #tpu.memory_space<vmem>> -> memref<1x128xi32, #tpu.memory_space<vmem>>
        %dma_start3A_142 = tpu.memref_squeeze %dma_start3A_141 : memref<1x128xi32, #tpu.memory_space<vmem>> -> memref<128xi32, #tpu.memory_space<vmem>>
        %dma_start3A_143 = arith.constant 0 : i32
        %dma_start3A_144 = arith.constant 0 : i32
        %dma_start3A_145 = tpu.memref_slice %arg9[%dma_start3A_143, %dma_start3A_144] : memref<10240x128xf32, #tpu.memory_space<vmem_shared>> -> memref<10240x128xf32, #tpu.memory_space<vmem_shared>>
        tpu.enqueue_indirect_dma source(%arg13 : memref<128x128xf32, #tpu.memory_space<vmem>>) target(%dma_start3A_145 : memref<10240x128xf32, #tpu.memory_space<vmem_shared>>) offsets(%dma_start3A_142 : memref<128xi32, #tpu.memory_space<vmem>>) semaphore(%arg17 : memref<!tpu.dma_semaphore, #tpu.memory_space<semaphore_mem>>) {add = true}
        %add3A_146 = arith.constant 1 : i32
        %add3A_147 = arith.addi %mul3A_117, %add3A_146 : i32
        %dma_wait3A_148 = arith.constant 0 : i32
        %dma_wait3A_149 = tpu.memref_slice %arg11[%add3A_147, %dma_wait3A_148] : memref<16x128xi32, #tpu.memory_space<vmem>> -> memref<1x128xi32, #tpu.memory_space<vmem>>
        %dma_wait3A_150 = tpu.memref_squeeze %dma_wait3A_149 : memref<1x128xi32, #tpu.memory_space<vmem>> -> memref<128xi32, #tpu.memory_space<vmem>>
        %dma_wait3A_151 = arith.constant 0 : i32
        %dma_wait3A_152 = arith.constant 0 : i32
        %dma_wait3A_153 = tpu.memref_slice %arg8[%arg0, %dma_wait3A_151, %dma_wait3A_152] : memref<2x10240x128xf32, #tpu.memory_space<hbm>> -> memref<1x10240x128xf32, #tpu.memory_space<hbm>>
        %dma_wait3A_154 = tpu.memref_squeeze %dma_wait3A_153 : memref<1x10240x128xf32, #tpu.memory_space<hbm>> -> memref<10240x128xf32, #tpu.memory_space<hbm>>
        %dma_wait3A_155 = arith.constant 0 : i32
        %dma_wait3A_156 = arith.constant 0 : i32
        %dma_wait3A_157 = tpu.memref_slice %dma_wait3A_154[%dma_wait3A_155, %dma_wait3A_156] : memref<10240x128xf32, #tpu.memory_space<hbm>> -> memref<10240x128xf32, #tpu.memory_space<hbm>>
        tpu.wait_indirect_dma semaphore(%arg16 : memref<!tpu.dma_semaphore, #tpu.memory_space<semaphore_mem>>) src(%dma_wait3A_157 : memref<10240x128xf32, #tpu.memory_space<hbm>>) dst(%arg14 : memref<128x128xf32, #tpu.memory_space<vmem>>)
        %add3A_158 = arith.constant 1 : i32
        %add3A_159 = arith.addi %mul3A_117, %add3A_158 : i32
        %dma_start3A_160 = arith.constant 0 : i32
        %dma_start3A_161 = tpu.memref_slice %arg12[%add3A_159, %dma_start3A_160] : memref<16x128xi32, #tpu.memory_space<vmem>> -> memref<1x128xi32, #tpu.memory_space<vmem>>
        %dma_start3A_162 = tpu.memref_squeeze %dma_start3A_161 : memref<1x128xi32, #tpu.memory_space<vmem>> -> memref<128xi32, #tpu.memory_space<vmem>>
        %dma_start3A_163 = arith.constant 0 : i32
        %dma_start3A_164 = arith.constant 0 : i32
        %dma_start3A_165 = tpu.memref_slice %arg9[%dma_start3A_163, %dma_start3A_164] : memref<10240x128xf32, #tpu.memory_space<vmem_shared>> -> memref<10240x128xf32, #tpu.memory_space<vmem_shared>>
        tpu.enqueue_indirect_dma source(%arg14 : memref<128x128xf32, #tpu.memory_space<vmem>>) target(%dma_start3A_165 : memref<10240x128xf32, #tpu.memory_space<vmem_shared>>) offsets(%dma_start3A_162 : memref<128xi32, #tpu.memory_space<vmem>>) semaphore(%arg18 : memref<!tpu.dma_semaphore, #tpu.memory_space<semaphore_mem>>) {add = true}
        %dma_wait3A_166 = arith.constant 0 : i32
        %dma_wait3A_167 = tpu.memref_slice %arg12[%mul3A_117, %dma_wait3A_166] : memref<16x128xi32, #tpu.memory_space<vmem>> -> memref<1x128xi32, #tpu.memory_space<vmem>>
        %dma_wait3A_168 = tpu.memref_squeeze %dma_wait3A_167 : memref<1x128xi32, #tpu.memory_space<vmem>> -> memref<128xi32, #tpu.memory_space<vmem>>
        %dma_wait3A_169 = arith.constant 0 : i32
        %dma_wait3A_170 = arith.constant 0 : i32
        %dma_wait3A_171 = tpu.memref_slice %arg9[%dma_wait3A_169, %dma_wait3A_170] : memref<10240x128xf32, #tpu.memory_space<vmem_shared>> -> memref<10240x128xf32, #tpu.memory_space<vmem_shared>>
        tpu.wait_indirect_dma semaphore(%arg17 : memref<!tpu.dma_semaphore, #tpu.memory_space<semaphore_mem>>) src(%arg13 : memref<128x128xf32, #tpu.memory_space<vmem>>) dst(%dma_wait3A_171 : memref<10240x128xf32, #tpu.memory_space<vmem_shared>>)
        %add3A_172 = arith.constant 2 : i32
        %add3A_173 = arith.addi %mul3A_117, %add3A_172 : i32
        %dma_start3A_174 = arith.constant 0 : i32
        %dma_start3A_175 = tpu.memref_slice %arg11[%add3A_173, %dma_start3A_174] : memref<16x128xi32, #tpu.memory_space<vmem>> -> memref<1x128xi32, #tpu.memory_space<vmem>>
        %dma_start3A_176 = tpu.memref_squeeze %dma_start3A_175 : memref<1x128xi32, #tpu.memory_space<vmem>> -> memref<128xi32, #tpu.memory_space<vmem>>
        %dma_start3A_177 = arith.constant 0 : i32
        %dma_start3A_178 = arith.constant 0 : i32
        %dma_start3A_179 = tpu.memref_slice %arg8[%arg0, %dma_start3A_177, %dma_start3A_178] : memref<2x10240x128xf32, #tpu.memory_space<hbm>> -> memref<1x10240x128xf32, #tpu.memory_space<hbm>>
        %dma_start3A_180 = tpu.memref_squeeze %dma_start3A_179 : memref<1x10240x128xf32, #tpu.memory_space<hbm>> -> memref<10240x128xf32, #tpu.memory_space<hbm>>
        %dma_start3A_181 = arith.constant 0 : i32
        %dma_start3A_182 = arith.constant 0 : i32
        %dma_start3A_183 = tpu.memref_slice %dma_start3A_180[%dma_start3A_181, %dma_start3A_182] : memref<10240x128xf32, #tpu.memory_space<hbm>> -> memref<10240x128xf32, #tpu.memory_space<hbm>>
        tpu.enqueue_indirect_dma source(%dma_start3A_183 : memref<10240x128xf32, #tpu.memory_space<hbm>>) target(%arg13 : memref<128x128xf32, #tpu.memory_space<vmem>>) offsets(%dma_start3A_176 : memref<128xi32, #tpu.memory_space<vmem>>) semaphore(%arg15 : memref<!tpu.dma_semaphore, #tpu.memory_space<semaphore_mem>>)
        %add3A_184 = arith.constant 1 : i32
        %add3A_185 = arith.addi %mul3A_117, %add3A_184 : i32
        %dma_wait3A_186 = arith.constant 0 : i32
        %dma_wait3A_187 = tpu.memref_slice %arg12[%add3A_185, %dma_wait3A_186] : memref<16x128xi32, #tpu.memory_space<vmem>> -> memref<1x128xi32, #tpu.memory_space<vmem>>
        %dma_wait3A_188 = tpu.memref_squeeze %dma_wait3A_187 : memref<1x128xi32, #tpu.memory_space<vmem>> -> memref<128xi32, #tpu.memory_space<vmem>>
        %dma_wait3A_189 = arith.constant 0 : i32
        %dma_wait3A_190 = arith.constant 0 : i32
        %dma_wait3A_191 = tpu.memref_slice %arg9[%dma_wait3A_189, %dma_wait3A_190] : memref<10240x128xf32, #tpu.memory_space<vmem_shared>> -> memref<10240x128xf32, #tpu.memory_space<vmem_shared>>
        tpu.wait_indirect_dma semaphore(%arg18 : memref<!tpu.dma_semaphore, #tpu.memory_space<semaphore_mem>>) src(%arg14 : memref<128x128xf32, #tpu.memory_space<vmem>>) dst(%dma_wait3A_191 : memref<10240x128xf32, #tpu.memory_space<vmem_shared>>)
      }
      %scan3A_50 = arith.constant 7 : i32
      %dma_wait3A = arith.constant 14 : i32
      %dma_wait3A_51 = arith.constant 0 : i32
      %dma_wait3A_52 = tpu.memref_slice %arg11[%dma_wait3A, %dma_wait3A_51] : memref<16x128xi32, #tpu.memory_space<vmem>> -> memref<1x128xi32, #tpu.memory_space<vmem>>
      %dma_wait3A_53 = tpu.memref_squeeze %dma_wait3A_52 : memref<1x128xi32, #tpu.memory_space<vmem>> -> memref<128xi32, #tpu.memory_space<vmem>>
      %dma_wait3A_54 = arith.constant 0 : i32
      %dma_wait3A_55 = arith.constant 0 : i32
      %dma_wait3A_56 = tpu.memref_slice %arg8[%arg0, %dma_wait3A_54, %dma_wait3A_55] : memref<2x10240x128xf32, #tpu.memory_space<hbm>> -> memref<1x10240x128xf32, #tpu.memory_space<hbm>>
      %dma_wait3A_57 = tpu.memref_squeeze %dma_wait3A_56 : memref<1x10240x128xf32, #tpu.memory_space<hbm>> -> memref<10240x128xf32, #tpu.memory_space<hbm>>
      %dma_wait3A_58 = arith.constant 0 : i32
      %dma_wait3A_59 = arith.constant 0 : i32
      %dma_wait3A_60 = tpu.memref_slice %dma_wait3A_57[%dma_wait3A_58, %dma_wait3A_59] : memref<10240x128xf32, #tpu.memory_space<hbm>> -> memref<10240x128xf32, #tpu.memory_space<hbm>>
      tpu.wait_indirect_dma semaphore(%arg15 : memref<!tpu.dma_semaphore, #tpu.memory_space<semaphore_mem>>) src(%dma_wait3A_60 : memref<10240x128xf32, #tpu.memory_space<hbm>>) dst(%arg13 : memref<128x128xf32, #tpu.memory_space<vmem>>)
      %dma_start3A_61 = arith.constant 14 : i32
      %dma_start3A_62 = arith.constant 0 : i32
      %dma_start3A_63 = tpu.memref_slice %arg12[%dma_start3A_61, %dma_start3A_62] : memref<16x128xi32, #tpu.memory_space<vmem>> -> memref<1x128xi32, #tpu.memory_space<vmem>>
      %dma_start3A_64 = tpu.memref_squeeze %dma_start3A_63 : memref<1x128xi32, #tpu.memory_space<vmem>> -> memref<128xi32, #tpu.memory_space<vmem>>
      %dma_start3A_65 = arith.constant 0 : i32
      %dma_start3A_66 = arith.constant 0 : i32
      %dma_start3A_67 = tpu.memref_slice %arg9[%dma_start3A_65, %dma_start3A_66] : memref<10240x128xf32, #tpu.memory_space<vmem_shared>> -> memref<10240x128xf32, #tpu.memory_space<vmem_shared>>
      tpu.enqueue_indirect_dma source(%arg13 : memref<128x128xf32, #tpu.memory_space<vmem>>) target(%dma_start3A_67 : memref<10240x128xf32, #tpu.memory_space<vmem_shared>>) offsets(%dma_start3A_64 : memref<128xi32, #tpu.memory_space<vmem>>) semaphore(%arg17 : memref<!tpu.dma_semaphore, #tpu.memory_space<semaphore_mem>>) {add = true}
      %dma_start3A_68 = arith.constant 15 : i32
      %dma_start3A_69 = arith.constant 0 : i32
      %dma_start3A_70 = tpu.memref_slice %arg11[%dma_start3A_68, %dma_start3A_69] : memref<16x128xi32, #tpu.memory_space<vmem>> -> memref<1x128xi32, #tpu.memory_space<vmem>>
      %dma_start3A_71 = tpu.memref_squeeze %dma_start3A_70 : memref<1x128xi32, #tpu.memory_space<vmem>> -> memref<128xi32, #tpu.memory_space<vmem>>
      %dma_start3A_72 = arith.constant 0 : i32
      %dma_start3A_73 = arith.constant 0 : i32
      %dma_start3A_74 = tpu.memref_slice %arg8[%arg0, %dma_start3A_72, %dma_start3A_73] : memref<2x10240x128xf32, #tpu.memory_space<hbm>> -> memref<1x10240x128xf32, #tpu.memory_space<hbm>>
      %dma_start3A_75 = tpu.memref_squeeze %dma_start3A_74 : memref<1x10240x128xf32, #tpu.memory_space<hbm>> -> memref<10240x128xf32, #tpu.memory_space<hbm>>
      %dma_start3A_76 = arith.constant 0 : i32
      %dma_start3A_77 = arith.constant 0 : i32
      %dma_start3A_78 = tpu.memref_slice %dma_start3A_75[%dma_start3A_76, %dma_start3A_77] : memref<10240x128xf32, #tpu.memory_space<hbm>> -> memref<10240x128xf32, #tpu.memory_space<hbm>>
      tpu.enqueue_indirect_dma source(%dma_start3A_78 : memref<10240x128xf32, #tpu.memory_space<hbm>>) target(%arg14 : memref<128x128xf32, #tpu.memory_space<vmem>>) offsets(%dma_start3A_71 : memref<128xi32, #tpu.memory_space<vmem>>) semaphore(%arg16 : memref<!tpu.dma_semaphore, #tpu.memory_space<semaphore_mem>>)
      %dma_wait3A_79 = arith.constant 15 : i32
      %dma_wait3A_80 = arith.constant 0 : i32
      %dma_wait3A_81 = tpu.memref_slice %arg11[%dma_wait3A_79, %dma_wait3A_80] : memref<16x128xi32, #tpu.memory_space<vmem>> -> memref<1x128xi32, #tpu.memory_space<vmem>>
      %dma_wait3A_82 = tpu.memref_squeeze %dma_wait3A_81 : memref<1x128xi32, #tpu.memory_space<vmem>> -> memref<128xi32, #tpu.memory_space<vmem>>
      %dma_wait3A_83 = arith.constant 0 : i32
      %dma_wait3A_84 = arith.constant 0 : i32
      %dma_wait3A_85 = tpu.memref_slice %arg8[%arg0, %dma_wait3A_83, %dma_wait3A_84] : memref<2x10240x128xf32, #tpu.memory_space<hbm>> -> memref<1x10240x128xf32, #tpu.memory_space<hbm>>
      %dma_wait3A_86 = tpu.memref_squeeze %dma_wait3A_85 : memref<1x10240x128xf32, #tpu.memory_space<hbm>> -> memref<10240x128xf32, #tpu.memory_space<hbm>>
      %dma_wait3A_87 = arith.constant 0 : i32
      %dma_wait3A_88 = arith.constant 0 : i32
      %dma_wait3A_89 = tpu.memref_slice %dma_wait3A_86[%dma_wait3A_87, %dma_wait3A_88] : memref<10240x128xf32, #tpu.memory_space<hbm>> -> memref<10240x128xf32, #tpu.memory_space<hbm>>
      tpu.wait_indirect_dma semaphore(%arg16 : memref<!tpu.dma_semaphore, #tpu.memory_space<semaphore_mem>>) src(%dma_wait3A_89 : memref<10240x128xf32, #tpu.memory_space<hbm>>) dst(%arg14 : memref<128x128xf32, #tpu.memory_space<vmem>>)
      %dma_start3A_90 = arith.constant 15 : i32
      %dma_start3A_91 = arith.constant 0 : i32
      %dma_start3A_92 = tpu.memref_slice %arg12[%dma_start3A_90, %dma_start3A_91] : memref<16x128xi32, #tpu.memory_space<vmem>> -> memref<1x128xi32, #tpu.memory_space<vmem>>
      %dma_start3A_93 = tpu.memref_squeeze %dma_start3A_92 : memref<1x128xi32, #tpu.memory_space<vmem>> -> memref<128xi32, #tpu.memory_space<vmem>>
      %dma_start3A_94 = arith.constant 0 : i32
      %dma_start3A_95 = arith.constant 0 : i32
      %dma_start3A_96 = tpu.memref_slice %arg9[%dma_start3A_94, %dma_start3A_95] : memref<10240x128xf32, #tpu.memory_space<vmem_shared>> -> memref<10240x128xf32, #tpu.memory_space<vmem_shared>>
      tpu.enqueue_indirect_dma source(%arg14 : memref<128x128xf32, #tpu.memory_space<vmem>>) target(%dma_start3A_96 : memref<10240x128xf32, #tpu.memory_space<vmem_shared>>) offsets(%dma_start3A_93 : memref<128xi32, #tpu.memory_space<vmem>>) semaphore(%arg18 : memref<!tpu.dma_semaphore, #tpu.memory_space<semaphore_mem>>) {add = true}
      %dma_wait3A_97 = arith.constant 14 : i32
      %dma_wait3A_98 = arith.constant 0 : i32
      %dma_wait3A_99 = tpu.memref_slice %arg12[%dma_wait3A_97, %dma_wait3A_98] : memref<16x128xi32, #tpu.memory_space<vmem>> -> memref<1x128xi32, #tpu.memory_space<vmem>>
      %dma_wait3A_100 = tpu.memref_squeeze %dma_wait3A_99 : memref<1x128xi32, #tpu.memory_space<vmem>> -> memref<128xi32, #tpu.memory_space<vmem>>
      %dma_wait3A_101 = arith.constant 0 : i32
      %dma_wait3A_102 = arith.constant 0 : i32
      %dma_wait3A_103 = tpu.memref_slice %arg9[%dma_wait3A_101, %dma_wait3A_102] : memref<10240x128xf32, #tpu.memory_space<vmem_shared>> -> memref<10240x128xf32, #tpu.memory_space<vmem_shared>>
      tpu.wait_indirect_dma semaphore(%arg17 : memref<!tpu.dma_semaphore, #tpu.memory_space<semaphore_mem>>) src(%arg13 : memref<128x128xf32, #tpu.memory_space<vmem>>) dst(%dma_wait3A_103 : memref<10240x128xf32, #tpu.memory_space<vmem_shared>>)
      %dma_wait3A_104 = arith.constant 15 : i32
      %dma_wait3A_105 = arith.constant 0 : i32
      %dma_wait3A_106 = tpu.memref_slice %arg12[%dma_wait3A_104, %dma_wait3A_105] : memref<16x128xi32, #tpu.memory_space<vmem>> -> memref<1x128xi32, #tpu.memory_space<vmem>>
      %dma_wait3A_107 = tpu.memref_squeeze %dma_wait3A_106 : memref<1x128xi32, #tpu.memory_space<vmem>> -> memref<128xi32, #tpu.memory_space<vmem>>
      %dma_wait3A_108 = arith.constant 0 : i32
      %dma_wait3A_109 = arith.constant 0 : i32
      %dma_wait3A_110 = tpu.memref_slice %arg9[%dma_wait3A_108, %dma_wait3A_109] : memref<10240x128xf32, #tpu.memory_space<vmem_shared>> -> memref<10240x128xf32, #tpu.memory_space<vmem_shared>>
      tpu.wait_indirect_dma semaphore(%arg18 : memref<!tpu.dma_semaphore, #tpu.memory_space<semaphore_mem>>) src(%arg14 : memref<128x128xf32, #tpu.memory_space<vmem>>) dst(%dma_wait3A_110 : memref<10240x128xf32, #tpu.memory_space<vmem_shared>>)
    }
    %scan3A_15 = arith.constant 10 : i32
    %barrier3A_16 = arith.constant 0 : index
    tpu.barrier barrier_id(%barrier3A_16)
    %scan3A_17 = arith.constant 0 : i32
    %scan3A_18 = arith.constant 5 : i32
    %scan3A_19 = arith.addi %scan3A_17, %scan3A_18 : i32
    %scan3A_20 = arith.constant 1 : i32
    scf.for %scan3A_22 = %scan3A_17 to %scan3A_19 step %scan3A_20  : i32 {
      %mul3A_23 = arith.constant 1 : i32
      %mul3A_24 = arith.muli %scan3A_22, %mul3A_23 : i32
      %add3A = arith.constant 0 : i32
      %add3A_25 = arith.addi %add3A, %mul3A_24 : i32
      %mul3A_26 = arith.constant 128 : i32
      %mul3A_27 = arith.muli %add3A_25, %mul3A_26 : i32
      %add3A_28 = arith.addi %mul3A_0, %mul3A_27 : i32
      "tpu.region"() ({
        %run_scoped3A = tpu.sem_alloc : memref<!tpu.dma_semaphore, #tpu.memory_space<semaphore_mem>>
        %dma_start3A = arith.constant 0 : i32
        %dma_start3A_32 = tpu.memref_slice %arg9[%add3A_28, %dma_start3A] : memref<10240x128xf32, #tpu.memory_space<vmem_shared>> -> memref<128x128xf32, #tpu.memory_space<vmem_shared>>
        %dma_start3A_33 = arith.constant 0 : i32
        %dma_start3A_34 = tpu.memref_slice %arg9[%add3A_28, %dma_start3A_33] : memref<10240x128xf32, #tpu.memory_space<vmem_shared>> -> memref<128x128xf32, #tpu.memory_space<vmem_shared>>
        tpu.enqueue_dma source(%dma_start3A_34 : memref<128x128xf32, #tpu.memory_space<vmem_shared>>) target(%arg13 : memref<128x128xf32, #tpu.memory_space<vmem>>) target_semaphore(%run_scoped3A : memref<!tpu.dma_semaphore, #tpu.memory_space<semaphore_mem>>)
        %dma_wait3A = arith.constant 0 : i32
        %dma_wait3A_35 = tpu.memref_slice %arg9[%add3A_28, %dma_wait3A] : memref<10240x128xf32, #tpu.memory_space<vmem_shared>> -> memref<128x128xf32, #tpu.memory_space<vmem_shared>>
        %dma_wait3A_36 = arith.constant 0 : i32
        %dma_wait3A_37 = tpu.memref_slice %arg9[%add3A_28, %dma_wait3A_36] : memref<10240x128xf32, #tpu.memory_space<vmem_shared>> -> memref<128x128xf32, #tpu.memory_space<vmem_shared>>
        tpu.wait_dma2 semaphore(%run_scoped3A : memref<!tpu.dma_semaphore, #tpu.memory_space<semaphore_mem>>) src(%dma_wait3A_37 : memref<128x128xf32, #tpu.memory_space<vmem_shared>>) dst(%arg13 : memref<128x128xf32, #tpu.memory_space<vmem>>)
        tpu.yield
      }) : () -> ()
      %mul3A_29 = arith.constant 128 : i32
      %mul3A_30 = arith.muli %add3A_25, %mul3A_29 : i32
      %add3A_31 = arith.addi %mul3A_0, %mul3A_30 : i32
      "tpu.region"() ({
        %run_scoped3A = tpu.sem_alloc : memref<!tpu.dma_semaphore, #tpu.memory_space<semaphore_mem>>
        %dma_start3A = arith.constant 0 : i32
        %dma_start3A_32 = tpu.memref_slice %arg7[%arg0, %add3A_31, %dma_start3A] : memref<2x10240x128xf32, #tpu.memory_space<hbm>> -> memref<1x128x128xf32, #tpu.memory_space<hbm>>
        %dma_start3A_33 = tpu.memref_squeeze %dma_start3A_32 : memref<1x128x128xf32, #tpu.memory_space<hbm>> -> memref<128x128xf32, #tpu.memory_space<hbm>>
        %dma_start3A_34 = arith.constant 0 : i32
        %dma_start3A_35 = tpu.memref_slice %arg7[%arg0, %add3A_31, %dma_start3A_34] : memref<2x10240x128xf32, #tpu.memory_space<hbm>> -> memref<1x128x128xf32, #tpu.memory_space<hbm>>
        %dma_start3A_36 = tpu.memref_squeeze %dma_start3A_35 : memref<1x128x128xf32, #tpu.memory_space<hbm>> -> memref<128x128xf32, #tpu.memory_space<hbm>>
        tpu.enqueue_dma source(%arg13 : memref<128x128xf32, #tpu.memory_space<vmem>>) target(%dma_start3A_36 : memref<128x128xf32, #tpu.memory_space<hbm>>) target_semaphore(%run_scoped3A : memref<!tpu.dma_semaphore, #tpu.memory_space<semaphore_mem>>)
        %dma_wait3A = arith.constant 0 : i32
        %dma_wait3A_37 = tpu.memref_slice %arg7[%arg0, %add3A_31, %dma_wait3A] : memref<2x10240x128xf32, #tpu.memory_space<hbm>> -> memref<1x128x128xf32, #tpu.memory_space<hbm>>
        %dma_wait3A_38 = tpu.memref_squeeze %dma_wait3A_37 : memref<1x128x128xf32, #tpu.memory_space<hbm>> -> memref<128x128xf32, #tpu.memory_space<hbm>>
        %dma_wait3A_39 = arith.constant 0 : i32
        %dma_wait3A_40 = tpu.memref_slice %arg7[%arg0, %add3A_31, %dma_wait3A_39] : memref<2x10240x128xf32, #tpu.memory_space<hbm>> -> memref<1x128x128xf32, #tpu.memory_space<hbm>>
        %dma_wait3A_41 = tpu.memref_squeeze %dma_wait3A_40 : memref<1x128x128xf32, #tpu.memory_space<hbm>> -> memref<128x128xf32, #tpu.memory_space<hbm>>
        tpu.wait_dma2 semaphore(%run_scoped3A : memref<!tpu.dma_semaphore, #tpu.memory_space<semaphore_mem>>) src(%arg13 : memref<128x128xf32, #tpu.memory_space<vmem>>) dst(%dma_wait3A_41 : memref<128x128xf32, #tpu.memory_space<hbm>>)
        tpu.yield
      }) : () -> ()
    }
    %scan3A_21 = arith.constant 5 : i32
    return
  }
}

#map = affine_map<(d0, d1) -> (0, 0)>
#map1 = affine_map<(d0, d1) -> (0, 0, 0)>
module attributes {stable_mosaic.version = 14 : i64} {
  func.func @_sc_low_body(%arg0: i32, %arg1: i32, %arg2: memref<5120x128xf32, #tpu.memory_space<hbm>>, %arg3: memref<1280x128xi32, #tpu.memory_space<hbm>>, %arg4: memref<1280x128xi32, #tpu.memory_space<hbm>>, %arg5: memref<5120x128xf32, #tpu.memory_space<hbm>>, %arg6: memref<2x5120x128xf32, #tpu.memory_space<hbm>>, %arg7: memref<5120x128xf32, #tpu.memory_space<vmem_shared>>, %arg8: memref<40x128xi32, #tpu.memory_space<vmem>>, %arg9: memref<40x128xi32, #tpu.memory_space<vmem>>, %arg10: memref<128x128xf32, #tpu.memory_space<vmem>>, %arg11: memref<128x128xf32, #tpu.memory_space<vmem>>, %arg12: memref<!tpu.dma_semaphore, #tpu.memory_space<semaphore_mem>>, %arg13: memref<!tpu.dma_semaphore, #tpu.memory_space<semaphore_mem>>, %arg14: memref<!tpu.dma_semaphore, #tpu.memory_space<semaphore_mem>>, %arg15: memref<!tpu.dma_semaphore, #tpu.memory_space<semaphore_mem>>) attributes {dimension_semantics = [#tpu.dimension_semantics<core_parallel>, #tpu.dimension_semantics<subcore_parallel>], iteration_bounds = array<i64: 2, 16>, scalar_prefetch = 0 : i64, scratch_operands = 9 : i64, tpu.core_type = #tpu.core_type<sc_vector_subcore>, window_params = [{transform_indices = #map}, {transform_indices = #map}, {transform_indices = #map}, {transform_indices = #map}, {transform_indices = #map1}]} {
    %mul3A = arith.constant 320 : i32
    %mul3A_0 = arith.muli %arg1, %mul3A : i32
    "tpu.region"() ({
      %run_scoped3A = tpu.sem_alloc : memref<!tpu.dma_semaphore, #tpu.memory_space<semaphore_mem>>
      %dma_start3A_76 = arith.constant 0 : i32
      %dma_start3A_77 = arith.constant 0 : i32
      %dma_start3A_78 = tpu.memref_slice %arg5[%dma_start3A_76, %dma_start3A_77] : memref<5120x128xf32, #tpu.memory_space<hbm>> -> memref<128x128xf32, #tpu.memory_space<hbm>>
      %dma_start3A_79 = arith.constant 0 : i32
      %dma_start3A_80 = arith.constant 0 : i32
      %dma_start3A_81 = tpu.memref_slice %arg5[%dma_start3A_79, %dma_start3A_80] : memref<5120x128xf32, #tpu.memory_space<hbm>> -> memref<128x128xf32, #tpu.memory_space<hbm>>
      tpu.enqueue_dma source(%dma_start3A_81 : memref<128x128xf32, #tpu.memory_space<hbm>>) target(%arg10 : memref<128x128xf32, #tpu.memory_space<vmem>>) target_semaphore(%run_scoped3A : memref<!tpu.dma_semaphore, #tpu.memory_space<semaphore_mem>>)
      %dma_wait3A_82 = arith.constant 0 : i32
      %dma_wait3A_83 = arith.constant 0 : i32
      %dma_wait3A_84 = tpu.memref_slice %arg5[%dma_wait3A_82, %dma_wait3A_83] : memref<5120x128xf32, #tpu.memory_space<hbm>> -> memref<128x128xf32, #tpu.memory_space<hbm>>
      %dma_wait3A_85 = arith.constant 0 : i32
      %dma_wait3A_86 = arith.constant 0 : i32
      %dma_wait3A_87 = tpu.memref_slice %arg5[%dma_wait3A_85, %dma_wait3A_86] : memref<5120x128xf32, #tpu.memory_space<hbm>> -> memref<128x128xf32, #tpu.memory_space<hbm>>
      tpu.wait_dma2 semaphore(%run_scoped3A : memref<!tpu.dma_semaphore, #tpu.memory_space<semaphore_mem>>) src(%dma_wait3A_87 : memref<128x128xf32, #tpu.memory_space<hbm>>) dst(%arg10 : memref<128x128xf32, #tpu.memory_space<vmem>>)
      tpu.yield
    }) : () -> ()
    %scan3A = arith.constant 0 : i32
    %scan3A_1 = arith.constant 5 : i32
    %scan3A_2 = arith.addi %scan3A, %scan3A_1 : i32
    %scan3A_3 = arith.constant 1 : i32
    scf.for %scan3A_76 = %scan3A to %scan3A_2 step %scan3A_3  : i32 {
      %mul3A_77 = arith.constant 1 : i32
      %mul3A_78 = arith.muli %scan3A_76, %mul3A_77 : i32
      %add3A_79 = arith.constant 0 : i32
      %add3A_80 = arith.addi %add3A_79, %mul3A_78 : i32
      %mul3A_81 = arith.constant 64 : i32
      %mul3A_82 = arith.muli %add3A_80, %mul3A_81 : i32
      %add3A_83 = arith.addi %mul3A_0, %mul3A_82 : i32
      "tpu.region"() ({
        %run_scoped3A = tpu.sem_alloc : memref<!tpu.dma_semaphore, #tpu.memory_space<semaphore_mem>>
        %dma_start3A_84 = arith.constant 0 : i32
        %dma_start3A_85 = arith.constant 0 : i32
        %dma_start3A_86 = tpu.memref_slice %arg10[%dma_start3A_84, %dma_start3A_85] : memref<128x128xf32, #tpu.memory_space<vmem>> -> memref<64x128xf32, #tpu.memory_space<vmem>>
        %dma_start3A_87 = arith.constant 0 : i32
        %dma_start3A_88 = tpu.memref_slice %arg7[%add3A_83, %dma_start3A_87] : memref<5120x128xf32, #tpu.memory_space<vmem_shared>> -> memref<64x128xf32, #tpu.memory_space<vmem_shared>>
        %dma_start3A_89 = arith.constant 0 : i32
        %dma_start3A_90 = tpu.memref_slice %arg7[%add3A_83, %dma_start3A_89] : memref<5120x128xf32, #tpu.memory_space<vmem_shared>> -> memref<64x128xf32, #tpu.memory_space<vmem_shared>>
        %dma_start3A_91 = arith.constant 0 : i32
        %dma_start3A_92 = arith.constant 0 : i32
        %dma_start3A_93 = tpu.memref_slice %arg10[%dma_start3A_91, %dma_start3A_92] : memref<128x128xf32, #tpu.memory_space<vmem>> -> memref<64x128xf32, #tpu.memory_space<vmem>>
        tpu.enqueue_dma source(%dma_start3A_93 : memref<64x128xf32, #tpu.memory_space<vmem>>) target(%dma_start3A_90 : memref<64x128xf32, #tpu.memory_space<vmem_shared>>) target_semaphore(%run_scoped3A : memref<!tpu.dma_semaphore, #tpu.memory_space<semaphore_mem>>)
        %dma_wait3A_94 = arith.constant 0 : i32
        %dma_wait3A_95 = arith.constant 0 : i32
        %dma_wait3A_96 = tpu.memref_slice %arg10[%dma_wait3A_94, %dma_wait3A_95] : memref<128x128xf32, #tpu.memory_space<vmem>> -> memref<64x128xf32, #tpu.memory_space<vmem>>
        %dma_wait3A_97 = arith.constant 0 : i32
        %dma_wait3A_98 = tpu.memref_slice %arg7[%add3A_83, %dma_wait3A_97] : memref<5120x128xf32, #tpu.memory_space<vmem_shared>> -> memref<64x128xf32, #tpu.memory_space<vmem_shared>>
        %dma_wait3A_99 = arith.constant 0 : i32
        %dma_wait3A_100 = tpu.memref_slice %arg7[%add3A_83, %dma_wait3A_99] : memref<5120x128xf32, #tpu.memory_space<vmem_shared>> -> memref<64x128xf32, #tpu.memory_space<vmem_shared>>
        %dma_wait3A_101 = arith.constant 0 : i32
        %dma_wait3A_102 = arith.constant 0 : i32
        %dma_wait3A_103 = tpu.memref_slice %arg10[%dma_wait3A_101, %dma_wait3A_102] : memref<128x128xf32, #tpu.memory_space<vmem>> -> memref<64x128xf32, #tpu.memory_space<vmem>>
        tpu.wait_dma2 semaphore(%run_scoped3A : memref<!tpu.dma_semaphore, #tpu.memory_space<semaphore_mem>>) src(%dma_wait3A_103 : memref<64x128xf32, #tpu.memory_space<vmem>>) dst(%dma_wait3A_100 : memref<64x128xf32, #tpu.memory_space<vmem_shared>>)
        tpu.yield
      }) : () -> ()
    }
    %scan3A_4 = arith.constant 5 : i32
    %barrier3A = arith.constant 0 : index
    tpu.barrier barrier_id(%barrier3A)
    %mul3A_5 = arith.constant 16 : i32
    %mul3A_6 = arith.muli %arg0, %mul3A_5 : i32
    %add3A = arith.addi %mul3A_6, %arg1 : i32
    %mul3A_7 = arith.constant 40 : i32
    %mul3A_8 = arith.muli %add3A, %mul3A_7 : i32
    "tpu.region"() ({
      %run_scoped3A = tpu.sem_alloc : memref<!tpu.dma_semaphore, #tpu.memory_space<semaphore_mem>>
      %dma_start3A_76 = arith.constant 0 : i32
      %dma_start3A_77 = tpu.memref_slice %arg3[%mul3A_8, %dma_start3A_76] : memref<1280x128xi32, #tpu.memory_space<hbm>> -> memref<40x128xi32, #tpu.memory_space<hbm>>
      %dma_start3A_78 = arith.constant 0 : i32
      %dma_start3A_79 = tpu.memref_slice %arg3[%mul3A_8, %dma_start3A_78] : memref<1280x128xi32, #tpu.memory_space<hbm>> -> memref<40x128xi32, #tpu.memory_space<hbm>>
      tpu.enqueue_dma source(%dma_start3A_79 : memref<40x128xi32, #tpu.memory_space<hbm>>) target(%arg8 : memref<40x128xi32, #tpu.memory_space<vmem>>) target_semaphore(%run_scoped3A : memref<!tpu.dma_semaphore, #tpu.memory_space<semaphore_mem>>)
      %dma_wait3A_80 = arith.constant 0 : i32
      %dma_wait3A_81 = tpu.memref_slice %arg3[%mul3A_8, %dma_wait3A_80] : memref<1280x128xi32, #tpu.memory_space<hbm>> -> memref<40x128xi32, #tpu.memory_space<hbm>>
      %dma_wait3A_82 = arith.constant 0 : i32
      %dma_wait3A_83 = tpu.memref_slice %arg3[%mul3A_8, %dma_wait3A_82] : memref<1280x128xi32, #tpu.memory_space<hbm>> -> memref<40x128xi32, #tpu.memory_space<hbm>>
      tpu.wait_dma2 semaphore(%run_scoped3A : memref<!tpu.dma_semaphore, #tpu.memory_space<semaphore_mem>>) src(%dma_wait3A_83 : memref<40x128xi32, #tpu.memory_space<hbm>>) dst(%arg8 : memref<40x128xi32, #tpu.memory_space<vmem>>)
      tpu.yield
    }) : () -> ()
    %mul3A_9 = arith.constant 40 : i32
    %mul3A_10 = arith.muli %add3A, %mul3A_9 : i32
    "tpu.region"() ({
      %run_scoped3A = tpu.sem_alloc : memref<!tpu.dma_semaphore, #tpu.memory_space<semaphore_mem>>
      %dma_start3A_76 = arith.constant 0 : i32
      %dma_start3A_77 = tpu.memref_slice %arg4[%mul3A_10, %dma_start3A_76] : memref<1280x128xi32, #tpu.memory_space<hbm>> -> memref<40x128xi32, #tpu.memory_space<hbm>>
      %dma_start3A_78 = arith.constant 0 : i32
      %dma_start3A_79 = tpu.memref_slice %arg4[%mul3A_10, %dma_start3A_78] : memref<1280x128xi32, #tpu.memory_space<hbm>> -> memref<40x128xi32, #tpu.memory_space<hbm>>
      tpu.enqueue_dma source(%dma_start3A_79 : memref<40x128xi32, #tpu.memory_space<hbm>>) target(%arg9 : memref<40x128xi32, #tpu.memory_space<vmem>>) target_semaphore(%run_scoped3A : memref<!tpu.dma_semaphore, #tpu.memory_space<semaphore_mem>>)
      %dma_wait3A_80 = arith.constant 0 : i32
      %dma_wait3A_81 = tpu.memref_slice %arg4[%mul3A_10, %dma_wait3A_80] : memref<1280x128xi32, #tpu.memory_space<hbm>> -> memref<40x128xi32, #tpu.memory_space<hbm>>
      %dma_wait3A_82 = arith.constant 0 : i32
      %dma_wait3A_83 = tpu.memref_slice %arg4[%mul3A_10, %dma_wait3A_82] : memref<1280x128xi32, #tpu.memory_space<hbm>> -> memref<40x128xi32, #tpu.memory_space<hbm>>
      tpu.wait_dma2 semaphore(%run_scoped3A : memref<!tpu.dma_semaphore, #tpu.memory_space<semaphore_mem>>) src(%dma_wait3A_83 : memref<40x128xi32, #tpu.memory_space<hbm>>) dst(%arg9 : memref<40x128xi32, #tpu.memory_space<vmem>>)
      tpu.yield
    }) : () -> ()
    %dma_start3A = arith.constant 0 : i32
    %dma_start3A_11 = arith.constant 0 : i32
    %dma_start3A_12 = tpu.memref_slice %arg8[%dma_start3A, %dma_start3A_11] : memref<40x128xi32, #tpu.memory_space<vmem>> -> memref<1x128xi32, #tpu.memory_space<vmem>>
    %dma_start3A_13 = tpu.memref_squeeze %dma_start3A_12 : memref<1x128xi32, #tpu.memory_space<vmem>> -> memref<128xi32, #tpu.memory_space<vmem>>
    %dma_start3A_14 = arith.constant 0 : i32
    %dma_start3A_15 = arith.constant 0 : i32
    %dma_start3A_16 = tpu.memref_slice %arg2[%dma_start3A_14, %dma_start3A_15] : memref<5120x128xf32, #tpu.memory_space<hbm>> -> memref<5120x128xf32, #tpu.memory_space<hbm>>
    tpu.enqueue_indirect_dma source(%dma_start3A_16 : memref<5120x128xf32, #tpu.memory_space<hbm>>) target(%arg10 : memref<128x128xf32, #tpu.memory_space<vmem>>) offsets(%dma_start3A_13 : memref<128xi32, #tpu.memory_space<vmem>>) semaphore(%arg12 : memref<!tpu.dma_semaphore, #tpu.memory_space<semaphore_mem>>)
    %scan3A_17 = arith.constant 0 : i32
    %scan3A_18 = arith.constant 19 : i32
    %scan3A_19 = arith.addi %scan3A_17, %scan3A_18 : i32
    %scan3A_20 = arith.constant 1 : i32
    scf.for %scan3A_76 = %scan3A_17 to %scan3A_19 step %scan3A_20  : i32 {
      %mul3A_77 = arith.constant 1 : i32
      %mul3A_78 = arith.muli %scan3A_76, %mul3A_77 : i32
      %add3A_79 = arith.constant 0 : i32
      %add3A_80 = arith.addi %add3A_79, %mul3A_78 : i32
      %mul3A_81 = arith.constant 2 : i32
      %mul3A_82 = arith.muli %mul3A_81, %add3A_80 : i32
      %dma_wait3A_83 = arith.constant 0 : i32
      %dma_wait3A_84 = tpu.memref_slice %arg8[%mul3A_82, %dma_wait3A_83] : memref<40x128xi32, #tpu.memory_space<vmem>> -> memref<1x128xi32, #tpu.memory_space<vmem>>
      %dma_wait3A_85 = tpu.memref_squeeze %dma_wait3A_84 : memref<1x128xi32, #tpu.memory_space<vmem>> -> memref<128xi32, #tpu.memory_space<vmem>>
      %dma_wait3A_86 = arith.constant 0 : i32
      %dma_wait3A_87 = arith.constant 0 : i32
      %dma_wait3A_88 = tpu.memref_slice %arg2[%dma_wait3A_86, %dma_wait3A_87] : memref<5120x128xf32, #tpu.memory_space<hbm>> -> memref<5120x128xf32, #tpu.memory_space<hbm>>
      tpu.wait_indirect_dma semaphore(%arg12 : memref<!tpu.dma_semaphore, #tpu.memory_space<semaphore_mem>>) src(%dma_wait3A_88 : memref<5120x128xf32, #tpu.memory_space<hbm>>) dst(%arg10 : memref<128x128xf32, #tpu.memory_space<vmem>>)
      %add3A_89 = arith.constant 1 : i32
      %add3A_90 = arith.addi %mul3A_82, %add3A_89 : i32
      %dma_start3A_91 = arith.constant 0 : i32
      %dma_start3A_92 = tpu.memref_slice %arg8[%add3A_90, %dma_start3A_91] : memref<40x128xi32, #tpu.memory_space<vmem>> -> memref<1x128xi32, #tpu.memory_space<vmem>>
      %dma_start3A_93 = tpu.memref_squeeze %dma_start3A_92 : memref<1x128xi32, #tpu.memory_space<vmem>> -> memref<128xi32, #tpu.memory_space<vmem>>
      %dma_start3A_94 = arith.constant 0 : i32
      %dma_start3A_95 = arith.constant 0 : i32
      %dma_start3A_96 = tpu.memref_slice %arg2[%dma_start3A_94, %dma_start3A_95] : memref<5120x128xf32, #tpu.memory_space<hbm>> -> memref<5120x128xf32, #tpu.memory_space<hbm>>
      tpu.enqueue_indirect_dma source(%dma_start3A_96 : memref<5120x128xf32, #tpu.memory_space<hbm>>) target(%arg11 : memref<128x128xf32, #tpu.memory_space<vmem>>) offsets(%dma_start3A_93 : memref<128xi32, #tpu.memory_space<vmem>>) semaphore(%arg13 : memref<!tpu.dma_semaphore, #tpu.memory_space<semaphore_mem>>)
      %dma_start3A_97 = arith.constant 0 : i32
      %dma_start3A_98 = tpu.memref_slice %arg9[%mul3A_82, %dma_start3A_97] : memref<40x128xi32, #tpu.memory_space<vmem>> -> memref<1x128xi32, #tpu.memory_space<vmem>>
      %dma_start3A_99 = tpu.memref_squeeze %dma_start3A_98 : memref<1x128xi32, #tpu.memory_space<vmem>> -> memref<128xi32, #tpu.memory_space<vmem>>
      %dma_start3A_100 = arith.constant 0 : i32
      %dma_start3A_101 = arith.constant 0 : i32
      %dma_start3A_102 = tpu.memref_slice %arg7[%dma_start3A_100, %dma_start3A_101] : memref<5120x128xf32, #tpu.memory_space<vmem_shared>> -> memref<5120x128xf32, #tpu.memory_space<vmem_shared>>
      tpu.enqueue_indirect_dma source(%arg10 : memref<128x128xf32, #tpu.memory_space<vmem>>) target(%dma_start3A_102 : memref<5120x128xf32, #tpu.memory_space<vmem_shared>>) offsets(%dma_start3A_99 : memref<128xi32, #tpu.memory_space<vmem>>) semaphore(%arg14 : memref<!tpu.dma_semaphore, #tpu.memory_space<semaphore_mem>>) {add = true}
      %add3A_103 = arith.constant 1 : i32
      %add3A_104 = arith.addi %mul3A_82, %add3A_103 : i32
      %dma_wait3A_105 = arith.constant 0 : i32
      %dma_wait3A_106 = tpu.memref_slice %arg8[%add3A_104, %dma_wait3A_105] : memref<40x128xi32, #tpu.memory_space<vmem>> -> memref<1x128xi32, #tpu.memory_space<vmem>>
      %dma_wait3A_107 = tpu.memref_squeeze %dma_wait3A_106 : memref<1x128xi32, #tpu.memory_space<vmem>> -> memref<128xi32, #tpu.memory_space<vmem>>
      %dma_wait3A_108 = arith.constant 0 : i32
      %dma_wait3A_109 = arith.constant 0 : i32
      %dma_wait3A_110 = tpu.memref_slice %arg2[%dma_wait3A_108, %dma_wait3A_109] : memref<5120x128xf32, #tpu.memory_space<hbm>> -> memref<5120x128xf32, #tpu.memory_space<hbm>>
      tpu.wait_indirect_dma semaphore(%arg13 : memref<!tpu.dma_semaphore, #tpu.memory_space<semaphore_mem>>) src(%dma_wait3A_110 : memref<5120x128xf32, #tpu.memory_space<hbm>>) dst(%arg11 : memref<128x128xf32, #tpu.memory_space<vmem>>)
      %add3A_111 = arith.constant 1 : i32
      %add3A_112 = arith.addi %mul3A_82, %add3A_111 : i32
      %dma_start3A_113 = arith.constant 0 : i32
      %dma_start3A_114 = tpu.memref_slice %arg9[%add3A_112, %dma_start3A_113] : memref<40x128xi32, #tpu.memory_space<vmem>> -> memref<1x128xi32, #tpu.memory_space<vmem>>
      %dma_start3A_115 = tpu.memref_squeeze %dma_start3A_114 : memref<1x128xi32, #tpu.memory_space<vmem>> -> memref<128xi32, #tpu.memory_space<vmem>>
      %dma_start3A_116 = arith.constant 0 : i32
      %dma_start3A_117 = arith.constant 0 : i32
      %dma_start3A_118 = tpu.memref_slice %arg7[%dma_start3A_116, %dma_start3A_117] : memref<5120x128xf32, #tpu.memory_space<vmem_shared>> -> memref<5120x128xf32, #tpu.memory_space<vmem_shared>>
      tpu.enqueue_indirect_dma source(%arg11 : memref<128x128xf32, #tpu.memory_space<vmem>>) target(%dma_start3A_118 : memref<5120x128xf32, #tpu.memory_space<vmem_shared>>) offsets(%dma_start3A_115 : memref<128xi32, #tpu.memory_space<vmem>>) semaphore(%arg15 : memref<!tpu.dma_semaphore, #tpu.memory_space<semaphore_mem>>) {add = true}
      %dma_wait3A_119 = arith.constant 0 : i32
      %dma_wait3A_120 = tpu.memref_slice %arg9[%mul3A_82, %dma_wait3A_119] : memref<40x128xi32, #tpu.memory_space<vmem>> -> memref<1x128xi32, #tpu.memory_space<vmem>>
      %dma_wait3A_121 = tpu.memref_squeeze %dma_wait3A_120 : memref<1x128xi32, #tpu.memory_space<vmem>> -> memref<128xi32, #tpu.memory_space<vmem>>
      %dma_wait3A_122 = arith.constant 0 : i32
      %dma_wait3A_123 = arith.constant 0 : i32
      %dma_wait3A_124 = tpu.memref_slice %arg7[%dma_wait3A_122, %dma_wait3A_123] : memref<5120x128xf32, #tpu.memory_space<vmem_shared>> -> memref<5120x128xf32, #tpu.memory_space<vmem_shared>>
      tpu.wait_indirect_dma semaphore(%arg14 : memref<!tpu.dma_semaphore, #tpu.memory_space<semaphore_mem>>) src(%arg10 : memref<128x128xf32, #tpu.memory_space<vmem>>) dst(%dma_wait3A_124 : memref<5120x128xf32, #tpu.memory_space<vmem_shared>>)
      %add3A_125 = arith.constant 2 : i32
      %add3A_126 = arith.addi %mul3A_82, %add3A_125 : i32
      %dma_start3A_127 = arith.constant 0 : i32
      %dma_start3A_128 = tpu.memref_slice %arg8[%add3A_126, %dma_start3A_127] : memref<40x128xi32, #tpu.memory_space<vmem>> -> memref<1x128xi32, #tpu.memory_space<vmem>>
      %dma_start3A_129 = tpu.memref_squeeze %dma_start3A_128 : memref<1x128xi32, #tpu.memory_space<vmem>> -> memref<128xi32, #tpu.memory_space<vmem>>
      %dma_start3A_130 = arith.constant 0 : i32
      %dma_start3A_131 = arith.constant 0 : i32
      %dma_start3A_132 = tpu.memref_slice %arg2[%dma_start3A_130, %dma_start3A_131] : memref<5120x128xf32, #tpu.memory_space<hbm>> -> memref<5120x128xf32, #tpu.memory_space<hbm>>
      tpu.enqueue_indirect_dma source(%dma_start3A_132 : memref<5120x128xf32, #tpu.memory_space<hbm>>) target(%arg10 : memref<128x128xf32, #tpu.memory_space<vmem>>) offsets(%dma_start3A_129 : memref<128xi32, #tpu.memory_space<vmem>>) semaphore(%arg12 : memref<!tpu.dma_semaphore, #tpu.memory_space<semaphore_mem>>)
      %add3A_133 = arith.constant 1 : i32
      %add3A_134 = arith.addi %mul3A_82, %add3A_133 : i32
      %dma_wait3A_135 = arith.constant 0 : i32
      %dma_wait3A_136 = tpu.memref_slice %arg9[%add3A_134, %dma_wait3A_135] : memref<40x128xi32, #tpu.memory_space<vmem>> -> memref<1x128xi32, #tpu.memory_space<vmem>>
      %dma_wait3A_137 = tpu.memref_squeeze %dma_wait3A_136 : memref<1x128xi32, #tpu.memory_space<vmem>> -> memref<128xi32, #tpu.memory_space<vmem>>
      %dma_wait3A_138 = arith.constant 0 : i32
      %dma_wait3A_139 = arith.constant 0 : i32
      %dma_wait3A_140 = tpu.memref_slice %arg7[%dma_wait3A_138, %dma_wait3A_139] : memref<5120x128xf32, #tpu.memory_space<vmem_shared>> -> memref<5120x128xf32, #tpu.memory_space<vmem_shared>>
      tpu.wait_indirect_dma semaphore(%arg15 : memref<!tpu.dma_semaphore, #tpu.memory_space<semaphore_mem>>) src(%arg11 : memref<128x128xf32, #tpu.memory_space<vmem>>) dst(%dma_wait3A_140 : memref<5120x128xf32, #tpu.memory_space<vmem_shared>>)
    }
    %scan3A_21 = arith.constant 19 : i32
    %dma_wait3A = arith.constant 38 : i32
    %dma_wait3A_22 = arith.constant 0 : i32
    %dma_wait3A_23 = tpu.memref_slice %arg8[%dma_wait3A, %dma_wait3A_22] : memref<40x128xi32, #tpu.memory_space<vmem>> -> memref<1x128xi32, #tpu.memory_space<vmem>>
    %dma_wait3A_24 = tpu.memref_squeeze %dma_wait3A_23 : memref<1x128xi32, #tpu.memory_space<vmem>> -> memref<128xi32, #tpu.memory_space<vmem>>
    %dma_wait3A_25 = arith.constant 0 : i32
    %dma_wait3A_26 = arith.constant 0 : i32
    %dma_wait3A_27 = tpu.memref_slice %arg2[%dma_wait3A_25, %dma_wait3A_26] : memref<5120x128xf32, #tpu.memory_space<hbm>> -> memref<5120x128xf32, #tpu.memory_space<hbm>>
    tpu.wait_indirect_dma semaphore(%arg12 : memref<!tpu.dma_semaphore, #tpu.memory_space<semaphore_mem>>) src(%dma_wait3A_27 : memref<5120x128xf32, #tpu.memory_space<hbm>>) dst(%arg10 : memref<128x128xf32, #tpu.memory_space<vmem>>)
    %dma_start3A_28 = arith.constant 38 : i32
    %dma_start3A_29 = arith.constant 0 : i32
    %dma_start3A_30 = tpu.memref_slice %arg9[%dma_start3A_28, %dma_start3A_29] : memref<40x128xi32, #tpu.memory_space<vmem>> -> memref<1x128xi32, #tpu.memory_space<vmem>>
    %dma_start3A_31 = tpu.memref_squeeze %dma_start3A_30 : memref<1x128xi32, #tpu.memory_space<vmem>> -> memref<128xi32, #tpu.memory_space<vmem>>
    %dma_start3A_32 = arith.constant 0 : i32
    %dma_start3A_33 = arith.constant 0 : i32
    %dma_start3A_34 = tpu.memref_slice %arg7[%dma_start3A_32, %dma_start3A_33] : memref<5120x128xf32, #tpu.memory_space<vmem_shared>> -> memref<5120x128xf32, #tpu.memory_space<vmem_shared>>
    tpu.enqueue_indirect_dma source(%arg10 : memref<128x128xf32, #tpu.memory_space<vmem>>) target(%dma_start3A_34 : memref<5120x128xf32, #tpu.memory_space<vmem_shared>>) offsets(%dma_start3A_31 : memref<128xi32, #tpu.memory_space<vmem>>) semaphore(%arg14 : memref<!tpu.dma_semaphore, #tpu.memory_space<semaphore_mem>>) {add = true}
    %dma_start3A_35 = arith.constant 39 : i32
    %dma_start3A_36 = arith.constant 0 : i32
    %dma_start3A_37 = tpu.memref_slice %arg8[%dma_start3A_35, %dma_start3A_36] : memref<40x128xi32, #tpu.memory_space<vmem>> -> memref<1x128xi32, #tpu.memory_space<vmem>>
    %dma_start3A_38 = tpu.memref_squeeze %dma_start3A_37 : memref<1x128xi32, #tpu.memory_space<vmem>> -> memref<128xi32, #tpu.memory_space<vmem>>
    %dma_start3A_39 = arith.constant 0 : i32
    %dma_start3A_40 = arith.constant 0 : i32
    %dma_start3A_41 = tpu.memref_slice %arg2[%dma_start3A_39, %dma_start3A_40] : memref<5120x128xf32, #tpu.memory_space<hbm>> -> memref<5120x128xf32, #tpu.memory_space<hbm>>
    tpu.enqueue_indirect_dma source(%dma_start3A_41 : memref<5120x128xf32, #tpu.memory_space<hbm>>) target(%arg11 : memref<128x128xf32, #tpu.memory_space<vmem>>) offsets(%dma_start3A_38 : memref<128xi32, #tpu.memory_space<vmem>>) semaphore(%arg13 : memref<!tpu.dma_semaphore, #tpu.memory_space<semaphore_mem>>)
    %dma_wait3A_42 = arith.constant 39 : i32
    %dma_wait3A_43 = arith.constant 0 : i32
    %dma_wait3A_44 = tpu.memref_slice %arg8[%dma_wait3A_42, %dma_wait3A_43] : memref<40x128xi32, #tpu.memory_space<vmem>> -> memref<1x128xi32, #tpu.memory_space<vmem>>
    %dma_wait3A_45 = tpu.memref_squeeze %dma_wait3A_44 : memref<1x128xi32, #tpu.memory_space<vmem>> -> memref<128xi32, #tpu.memory_space<vmem>>
    %dma_wait3A_46 = arith.constant 0 : i32
    %dma_wait3A_47 = arith.constant 0 : i32
    %dma_wait3A_48 = tpu.memref_slice %arg2[%dma_wait3A_46, %dma_wait3A_47] : memref<5120x128xf32, #tpu.memory_space<hbm>> -> memref<5120x128xf32, #tpu.memory_space<hbm>>
    tpu.wait_indirect_dma semaphore(%arg13 : memref<!tpu.dma_semaphore, #tpu.memory_space<semaphore_mem>>) src(%dma_wait3A_48 : memref<5120x128xf32, #tpu.memory_space<hbm>>) dst(%arg11 : memref<128x128xf32, #tpu.memory_space<vmem>>)
    %dma_start3A_49 = arith.constant 39 : i32
    %dma_start3A_50 = arith.constant 0 : i32
    %dma_start3A_51 = tpu.memref_slice %arg9[%dma_start3A_49, %dma_start3A_50] : memref<40x128xi32, #tpu.memory_space<vmem>> -> memref<1x128xi32, #tpu.memory_space<vmem>>
    %dma_start3A_52 = tpu.memref_squeeze %dma_start3A_51 : memref<1x128xi32, #tpu.memory_space<vmem>> -> memref<128xi32, #tpu.memory_space<vmem>>
    %dma_start3A_53 = arith.constant 0 : i32
    %dma_start3A_54 = arith.constant 0 : i32
    %dma_start3A_55 = tpu.memref_slice %arg7[%dma_start3A_53, %dma_start3A_54] : memref<5120x128xf32, #tpu.memory_space<vmem_shared>> -> memref<5120x128xf32, #tpu.memory_space<vmem_shared>>
    tpu.enqueue_indirect_dma source(%arg11 : memref<128x128xf32, #tpu.memory_space<vmem>>) target(%dma_start3A_55 : memref<5120x128xf32, #tpu.memory_space<vmem_shared>>) offsets(%dma_start3A_52 : memref<128xi32, #tpu.memory_space<vmem>>) semaphore(%arg15 : memref<!tpu.dma_semaphore, #tpu.memory_space<semaphore_mem>>) {add = true}
    %dma_wait3A_56 = arith.constant 38 : i32
    %dma_wait3A_57 = arith.constant 0 : i32
    %dma_wait3A_58 = tpu.memref_slice %arg9[%dma_wait3A_56, %dma_wait3A_57] : memref<40x128xi32, #tpu.memory_space<vmem>> -> memref<1x128xi32, #tpu.memory_space<vmem>>
    %dma_wait3A_59 = tpu.memref_squeeze %dma_wait3A_58 : memref<1x128xi32, #tpu.memory_space<vmem>> -> memref<128xi32, #tpu.memory_space<vmem>>
    %dma_wait3A_60 = arith.constant 0 : i32
    %dma_wait3A_61 = arith.constant 0 : i32
    %dma_wait3A_62 = tpu.memref_slice %arg7[%dma_wait3A_60, %dma_wait3A_61] : memref<5120x128xf32, #tpu.memory_space<vmem_shared>> -> memref<5120x128xf32, #tpu.memory_space<vmem_shared>>
    tpu.wait_indirect_dma semaphore(%arg14 : memref<!tpu.dma_semaphore, #tpu.memory_space<semaphore_mem>>) src(%arg10 : memref<128x128xf32, #tpu.memory_space<vmem>>) dst(%dma_wait3A_62 : memref<5120x128xf32, #tpu.memory_space<vmem_shared>>)
    %dma_wait3A_63 = arith.constant 39 : i32
    %dma_wait3A_64 = arith.constant 0 : i32
    %dma_wait3A_65 = tpu.memref_slice %arg9[%dma_wait3A_63, %dma_wait3A_64] : memref<40x128xi32, #tpu.memory_space<vmem>> -> memref<1x128xi32, #tpu.memory_space<vmem>>
    %dma_wait3A_66 = tpu.memref_squeeze %dma_wait3A_65 : memref<1x128xi32, #tpu.memory_space<vmem>> -> memref<128xi32, #tpu.memory_space<vmem>>
    %dma_wait3A_67 = arith.constant 0 : i32
    %dma_wait3A_68 = arith.constant 0 : i32
    %dma_wait3A_69 = tpu.memref_slice %arg7[%dma_wait3A_67, %dma_wait3A_68] : memref<5120x128xf32, #tpu.memory_space<vmem_shared>> -> memref<5120x128xf32, #tpu.memory_space<vmem_shared>>
    tpu.wait_indirect_dma semaphore(%arg15 : memref<!tpu.dma_semaphore, #tpu.memory_space<semaphore_mem>>) src(%arg11 : memref<128x128xf32, #tpu.memory_space<vmem>>) dst(%dma_wait3A_69 : memref<5120x128xf32, #tpu.memory_space<vmem_shared>>)
    %barrier3A_70 = arith.constant 0 : index
    tpu.barrier barrier_id(%barrier3A_70)
    %scan3A_71 = arith.constant 0 : i32
    %scan3A_72 = arith.constant 5 : i32
    %scan3A_73 = arith.addi %scan3A_71, %scan3A_72 : i32
    %scan3A_74 = arith.constant 1 : i32
    scf.for %scan3A_76 = %scan3A_71 to %scan3A_73 step %scan3A_74  : i32 {
      %mul3A_77 = arith.constant 1 : i32
      %mul3A_78 = arith.muli %scan3A_76, %mul3A_77 : i32
      %add3A_79 = arith.constant 0 : i32
      %add3A_80 = arith.addi %add3A_79, %mul3A_78 : i32
      %mul3A_81 = arith.constant 64 : i32
      %mul3A_82 = arith.muli %add3A_80, %mul3A_81 : i32
      %add3A_83 = arith.addi %mul3A_0, %mul3A_82 : i32
      "tpu.region"() ({
        %run_scoped3A = tpu.sem_alloc : memref<!tpu.dma_semaphore, #tpu.memory_space<semaphore_mem>>
        %dma_start3A_87 = arith.constant 0 : i32
        %dma_start3A_88 = arith.constant 0 : i32
        %dma_start3A_89 = tpu.memref_slice %arg10[%dma_start3A_87, %dma_start3A_88] : memref<128x128xf32, #tpu.memory_space<vmem>> -> memref<64x128xf32, #tpu.memory_space<vmem>>
        %dma_start3A_90 = arith.constant 0 : i32
        %dma_start3A_91 = tpu.memref_slice %arg7[%add3A_83, %dma_start3A_90] : memref<5120x128xf32, #tpu.memory_space<vmem_shared>> -> memref<64x128xf32, #tpu.memory_space<vmem_shared>>
        %dma_start3A_92 = arith.constant 0 : i32
        %dma_start3A_93 = arith.constant 0 : i32
        %dma_start3A_94 = tpu.memref_slice %arg10[%dma_start3A_92, %dma_start3A_93] : memref<128x128xf32, #tpu.memory_space<vmem>> -> memref<64x128xf32, #tpu.memory_space<vmem>>
        %dma_start3A_95 = arith.constant 0 : i32
        %dma_start3A_96 = tpu.memref_slice %arg7[%add3A_83, %dma_start3A_95] : memref<5120x128xf32, #tpu.memory_space<vmem_shared>> -> memref<64x128xf32, #tpu.memory_space<vmem_shared>>
        tpu.enqueue_dma source(%dma_start3A_96 : memref<64x128xf32, #tpu.memory_space<vmem_shared>>) target(%dma_start3A_94 : memref<64x128xf32, #tpu.memory_space<vmem>>) target_semaphore(%run_scoped3A : memref<!tpu.dma_semaphore, #tpu.memory_space<semaphore_mem>>)
        %dma_wait3A_97 = arith.constant 0 : i32
        %dma_wait3A_98 = arith.constant 0 : i32
        %dma_wait3A_99 = tpu.memref_slice %arg10[%dma_wait3A_97, %dma_wait3A_98] : memref<128x128xf32, #tpu.memory_space<vmem>> -> memref<64x128xf32, #tpu.memory_space<vmem>>
        %dma_wait3A_100 = arith.constant 0 : i32
        %dma_wait3A_101 = tpu.memref_slice %arg7[%add3A_83, %dma_wait3A_100] : memref<5120x128xf32, #tpu.memory_space<vmem_shared>> -> memref<64x128xf32, #tpu.memory_space<vmem_shared>>
        %dma_wait3A_102 = arith.constant 0 : i32
        %dma_wait3A_103 = arith.constant 0 : i32
        %dma_wait3A_104 = tpu.memref_slice %arg10[%dma_wait3A_102, %dma_wait3A_103] : memref<128x128xf32, #tpu.memory_space<vmem>> -> memref<64x128xf32, #tpu.memory_space<vmem>>
        %dma_wait3A_105 = arith.constant 0 : i32
        %dma_wait3A_106 = tpu.memref_slice %arg7[%add3A_83, %dma_wait3A_105] : memref<5120x128xf32, #tpu.memory_space<vmem_shared>> -> memref<64x128xf32, #tpu.memory_space<vmem_shared>>
        tpu.wait_dma2 semaphore(%run_scoped3A : memref<!tpu.dma_semaphore, #tpu.memory_space<semaphore_mem>>) src(%dma_wait3A_106 : memref<64x128xf32, #tpu.memory_space<vmem_shared>>) dst(%dma_wait3A_104 : memref<64x128xf32, #tpu.memory_space<vmem>>)
        tpu.yield
      }) : () -> ()
      %mul3A_84 = arith.constant 64 : i32
      %mul3A_85 = arith.muli %add3A_80, %mul3A_84 : i32
      %add3A_86 = arith.addi %mul3A_0, %mul3A_85 : i32
      "tpu.region"() ({
        %run_scoped3A = tpu.sem_alloc : memref<!tpu.dma_semaphore, #tpu.memory_space<semaphore_mem>>
        %dma_start3A_87 = arith.constant 0 : i32
        %dma_start3A_88 = arith.constant 0 : i32
        %dma_start3A_89 = tpu.memref_slice %arg10[%dma_start3A_87, %dma_start3A_88] : memref<128x128xf32, #tpu.memory_space<vmem>> -> memref<64x128xf32, #tpu.memory_space<vmem>>
        %dma_start3A_90 = arith.constant 0 : i32
        %dma_start3A_91 = tpu.memref_slice %arg6[%arg0, %add3A_86, %dma_start3A_90] : memref<2x5120x128xf32, #tpu.memory_space<hbm>> -> memref<1x64x128xf32, #tpu.memory_space<hbm>>
        %dma_start3A_92 = tpu.memref_squeeze %dma_start3A_91 : memref<1x64x128xf32, #tpu.memory_space<hbm>> -> memref<64x128xf32, #tpu.memory_space<hbm>>
        %dma_start3A_93 = arith.constant 0 : i32
        %dma_start3A_94 = tpu.memref_slice %arg6[%arg0, %add3A_86, %dma_start3A_93] : memref<2x5120x128xf32, #tpu.memory_space<hbm>> -> memref<1x64x128xf32, #tpu.memory_space<hbm>>
        %dma_start3A_95 = tpu.memref_squeeze %dma_start3A_94 : memref<1x64x128xf32, #tpu.memory_space<hbm>> -> memref<64x128xf32, #tpu.memory_space<hbm>>
        %dma_start3A_96 = arith.constant 0 : i32
        %dma_start3A_97 = arith.constant 0 : i32
        %dma_start3A_98 = tpu.memref_slice %arg10[%dma_start3A_96, %dma_start3A_97] : memref<128x128xf32, #tpu.memory_space<vmem>> -> memref<64x128xf32, #tpu.memory_space<vmem>>
        tpu.enqueue_dma source(%dma_start3A_98 : memref<64x128xf32, #tpu.memory_space<vmem>>) target(%dma_start3A_95 : memref<64x128xf32, #tpu.memory_space<hbm>>) target_semaphore(%run_scoped3A : memref<!tpu.dma_semaphore, #tpu.memory_space<semaphore_mem>>)
        %dma_wait3A_99 = arith.constant 0 : i32
        %dma_wait3A_100 = arith.constant 0 : i32
        %dma_wait3A_101 = tpu.memref_slice %arg10[%dma_wait3A_99, %dma_wait3A_100] : memref<128x128xf32, #tpu.memory_space<vmem>> -> memref<64x128xf32, #tpu.memory_space<vmem>>
        %dma_wait3A_102 = arith.constant 0 : i32
        %dma_wait3A_103 = tpu.memref_slice %arg6[%arg0, %add3A_86, %dma_wait3A_102] : memref<2x5120x128xf32, #tpu.memory_space<hbm>> -> memref<1x64x128xf32, #tpu.memory_space<hbm>>
        %dma_wait3A_104 = tpu.memref_squeeze %dma_wait3A_103 : memref<1x64x128xf32, #tpu.memory_space<hbm>> -> memref<64x128xf32, #tpu.memory_space<hbm>>
        %dma_wait3A_105 = arith.constant 0 : i32
        %dma_wait3A_106 = tpu.memref_slice %arg6[%arg0, %add3A_86, %dma_wait3A_105] : memref<2x5120x128xf32, #tpu.memory_space<hbm>> -> memref<1x64x128xf32, #tpu.memory_space<hbm>>
        %dma_wait3A_107 = tpu.memref_squeeze %dma_wait3A_106 : memref<1x64x128xf32, #tpu.memory_space<hbm>> -> memref<64x128xf32, #tpu.memory_space<hbm>>
        %dma_wait3A_108 = arith.constant 0 : i32
        %dma_wait3A_109 = arith.constant 0 : i32
        %dma_wait3A_110 = tpu.memref_slice %arg10[%dma_wait3A_108, %dma_wait3A_109] : memref<128x128xf32, #tpu.memory_space<vmem>> -> memref<64x128xf32, #tpu.memory_space<vmem>>
        tpu.wait_dma2 semaphore(%run_scoped3A : memref<!tpu.dma_semaphore, #tpu.memory_space<semaphore_mem>>) src(%dma_wait3A_110 : memref<64x128xf32, #tpu.memory_space<vmem>>) dst(%dma_wait3A_107 : memref<64x128xf32, #tpu.memory_space<hbm>>)
        tpu.yield
      }) : () -> ()
    }
    %scan3A_75 = arith.constant 5 : i32
    return
  }
}

module attributes {stable_mosaic.version = 14 : i64} {
  func.func @_tc1_body(%arg0: i32, %arg1: memref<640x128xf32, #tpu.memory_space<vmem>>, %arg2: memref<128x128xf32, #tpu.memory_space<vmem>>, %arg3: memref<640x128xf32, #tpu.memory_space<vmem>>, %arg4: memref<640x64xf32, #tpu.memory_space<vmem>>) attributes {dimension_semantics = [#tpu.dimension_semantics<arbitrary>], iteration_bounds = array<i64: 8>, scalar_prefetch = 0 : i64, scratch_operands = 0 : i64, tpu.core_type = #tpu.core_type<tc>, window_params = [{transform_indices = @transform_0, window_bounds = array<i64: 640, 128>}, {pipeline_mode = #tpu.pipeline_mode<synchronous>, transform_indices = @transform_1, window_bounds = array<i64: 128, 128>}, {transform_indices = @transform_2, window_bounds = array<i64: 640, 128>}, {transform_indices = @transform_3, window_bounds = array<i64: 640, 64>}]} {
    %get3A = arith.constant 0 : index
    %get3A_0 = arith.constant 0 : index
    %get3A_1 = vector.load %arg1[%get3A, %get3A_0] : memref<640x128xf32, #tpu.memory_space<vmem>>, vector<640x128xf32>
    %get3A_2 = arith.constant 0 : index
    %get3A_3 = arith.constant 0 : index
    %get3A_4 = vector.load %arg2[%get3A_2, %get3A_3] : memref<128x128xf32, #tpu.memory_space<vmem>>, vector<128x128xf32>
    %dot_general3A = arith.constant dense<0.000000e+00> : vector<640x128xf32>
    %dot_general3A_5 = tpu.matmul %get3A_1, %get3A_4, %dot_general3A {dimension_numbers = #tpu.dot_dimension_numbers<[1], [0], [0], [1], [0, 0, 1, 1], [], []>, precision = #tpu.contract_precision<fp32>, transpose_lhs_hint = false} : vector<640x128xf32>, vector<128x128xf32>, vector<640x128xf32> -> vector<640x128xf32>
    %slice3A = vector.extract_strided_slice %dot_general3A_5 {offsets = [0, 0], sizes = [640, 64], strides = [1, 1]} : vector<640x128xf32> to vector<640x64xf32>
    %broadcast_in_dim3A = arith.constant 0.000000e+00 : f32
    %broadcast_in_dim3A_6 = vector.broadcast %broadcast_in_dim3A : f32 to vector<640x64xf32>
    %concatenate3A = tpu.concatenate %slice3A, %broadcast_in_dim3A_6 in 1 : vector<640x64xf32>, vector<640x64xf32> -> vector<640x128xf32>
    %swap3A = arith.constant 0 : index
    %swap3A_7 = arith.constant 0 : index
    %swap3A_8 = vector.load %arg3[%swap3A, %swap3A_7] : memref<640x128xf32, #tpu.memory_space<vmem>>, vector<640x128xf32>
    tpu.vector_store %arg3[%swap3A, %swap3A_7], %concatenate3A {strides = array<i32>} : memref<640x128xf32, #tpu.memory_space<vmem>>, vector<640x128xf32>,
    %slice3A_9 = vector.extract_strided_slice %dot_general3A_5 {offsets = [0, 64], sizes = [640, 64], strides = [1, 1]} : vector<640x128xf32> to vector<640x64xf32>
    %swap3A_10 = arith.constant 0 : index
    %swap3A_11 = arith.constant 0 : index
    %swap3A_12 = vector.load %arg4[%swap3A_10, %swap3A_11] : memref<640x64xf32, #tpu.memory_space<vmem>>, vector<640x64xf32>
    tpu.vector_store %arg4[%swap3A_10, %swap3A_11], %slice3A_9 {strides = array<i32>} : memref<640x64xf32, #tpu.memory_space<vmem>>, vector<640x64xf32>,
    return
  }
  func.func @transform_0(%arg0: i32) -> (i32, i32) {
    %c0_i32 = arith.constant 0 : i32
    %c0_i32_0 = arith.constant 0 : i32
    return %arg0, %c0_i32 : i32, i32
  }
  func.func @transform_1(%arg0: i32) -> (i32, i32) {
    %c0_i32 = arith.constant 0 : i32
    %c0_i32_0 = arith.constant 0 : i32
    %c0_i32_1 = arith.constant 0 : i32
    return %c0_i32, %c0_i32_0 : i32, i32
  }
  func.func @transform_2(%arg0: i32) -> (i32, i32) {
    %c0_i32 = arith.constant 0 : i32
    %c0_i32_0 = arith.constant 0 : i32
    return %arg0, %c0_i32 : i32, i32
  }
  func.func @transform_3(%arg0: i32) -> (i32, i32) {
    %c0_i32 = arith.constant 0 : i32
    %c0_i32_0 = arith.constant 0 : i32
    return %arg0, %c0_i32 : i32, i32
  }
}

module attributes {stable_mosaic.version = 14 : i64} {
  func.func @_tc2_body(%arg0: i32, %arg1: memref<640x128xf32, #tpu.memory_space<vmem>>, %arg2: memref<640x64xf32, #tpu.memory_space<vmem>>, %arg3: memref<2x640x128xf32, #tpu.memory_space<vmem>>, %arg4: memref<1x64xf32, #tpu.memory_space<vmem>>, %arg5: memref<2x640x128xf32, #tpu.memory_space<vmem>>) attributes {dimension_semantics = [#tpu.dimension_semantics<arbitrary>], iteration_bounds = array<i64: 8>, scalar_prefetch = 0 : i64, scratch_operands = 0 : i64, tpu.core_type = #tpu.core_type<tc>, window_params = [{transform_indices = @transform_0, window_bounds = array<i64: 640, 128>}, {transform_indices = @transform_1, window_bounds = array<i64: 640, 64>}, {transform_indices = @transform_2, window_bounds = array<i64: 2, 640, 128>}, {pipeline_mode = #tpu.pipeline_mode<synchronous>, transform_indices = @transform_3, window_bounds = array<i64: 1, 64>}, {transform_indices = @transform_4, window_bounds = array<i64: 2, 640, 128>}]} {
    %get3A = arith.constant 0 : index
    %get3A_0 = arith.constant 0 : index
    %get3A_1 = vector.load %arg2[%get3A, %get3A_0] : memref<640x64xf32, #tpu.memory_space<vmem>>, vector<640x64xf32>
    %get3A_2 = arith.constant 0 : index
    %get3A_3 = arith.constant 0 : index
    %get3A_4 = arith.constant 0 : index
    %get3A_5 = vector.load %arg3[%get3A_2, %get3A_3, %get3A_4] : memref<2x640x128xf32, #tpu.memory_space<vmem>>, vector<1x640x64xf32>
    %get3A_6 = vector.shape_cast %get3A_5 : vector<1x640x64xf32> to vector<640x64xf32>
    %add3A = arith.addf %get3A_1, %get3A_6 : vector<640x64xf32>
    %get3A_7 = arith.constant 1 : index
    %get3A_8 = arith.constant 0 : index
    %get3A_9 = arith.constant 0 : index
    %get3A_10 = vector.load %arg3[%get3A_7, %get3A_8, %get3A_9] : memref<2x640x128xf32, #tpu.memory_space<vmem>>, vector<1x640x64xf32>
    %get3A_11 = vector.shape_cast %get3A_10 : vector<1x640x64xf32> to vector<640x64xf32>
    %add3A_12 = arith.addf %add3A, %get3A_11 : vector<640x64xf32>
    %get3A_13 = arith.constant 0 : index
    %get3A_14 = arith.constant 0 : index
    %get3A_15 = vector.load %arg4[%get3A_13, %get3A_14] : memref<1x64xf32, #tpu.memory_space<vmem>>, vector<1x64xf32>
    %add3A_16 = vector.broadcast %get3A_15 : vector<1x64xf32> to vector<640x64xf32>
    %add3A_17 = arith.addf %add3A_12, %add3A_16 : vector<640x64xf32>
    %ge3A = arith.constant 0.000000e+00 : f32
    %ge3A_18 = vector.broadcast %ge3A : f32 to vector<640x64xf32>
    %ge3A_19 = arith.cmpf oge, %add3A_17, %ge3A_18 : vector<640x64xf32>
    %mul3A = arith.constant 0.00999999977 : f32
    %mul3A_20 = vector.broadcast %mul3A : f32 to vector<640x64xf32>
    %mul3A_21 = arith.mulf %mul3A_20, %add3A_17 : vector<640x64xf32>
    %select_n3A = arith.select %ge3A_19, %add3A_17, %mul3A_21 : vector<640x64xi1>, vector<640x64xf32>
    %iota3A = tpu.iota {dimensions = array<i32: 0>} : vector<640x1xi32>
    %mul3A_22 = arith.constant 640 : i32
    %mul3A_23 = arith.muli %arg0, %mul3A_22 : i32
    %add3A_24 = vector.broadcast %mul3A_23 : i32 to vector<640x1xi32>
    %add3A_25 = arith.addi %iota3A, %add3A_24 : vector<640x1xi32>
    %lt3A = arith.constant 5000 : i32
    %lt3A_26 = vector.broadcast %lt3A : i32 to vector<640x1xi32>
    %lt3A_27 = arith.cmpi slt, %add3A_25, %lt3A_26 : vector<640x1xi32>
    %jit3A = arith.constant 0.000000e+00 : f32
    %broadcast_in_dim3A = vector.shape_cast %lt3A_27 : vector<640x1xi1> to vector<640x1xi1>
    %broadcast_in_dim3A_28 = vector.broadcast %broadcast_in_dim3A : vector<640x1xi1> to vector<640x64xi1>
    %broadcast_in_dim3A_29 = vector.broadcast %jit3A : f32 to vector<640x64xf32>
    %select_n3A_30 = arith.select %broadcast_in_dim3A_28, %select_n3A, %broadcast_in_dim3A_29 : vector<640x64xi1>, vector<640x64xf32>
    %get3A_31 = arith.constant 0 : index
    %get3A_32 = arith.constant 0 : index
    %get3A_33 = vector.load %arg1[%get3A_31, %get3A_32] : memref<640x128xf32, #tpu.memory_space<vmem>>, vector<640x128xf32>
    %swap3A = arith.constant 0 : index
    %swap3A_34 = arith.constant 0 : index
    %swap3A_35 = arith.constant 0 : index
    %swap3A_36 = vector.load %arg5[%swap3A, %swap3A_34, %swap3A_35] : memref<2x640x128xf32, #tpu.memory_space<vmem>>, vector<1x640x128xf32>
    %swap3A_37 = vector.shape_cast %swap3A_36 : vector<1x640x128xf32> to vector<640x128xf32>
    %swap3A_38 = vector.shape_cast %get3A_33 : vector<640x128xf32> to vector<1x640x128xf32>
    tpu.vector_store %arg5[%swap3A, %swap3A_34, %swap3A_35], %swap3A_38 {strides = array<i32>} : memref<2x640x128xf32, #tpu.memory_space<vmem>>, vector<1x640x128xf32>,
    %broadcast_in_dim3A_39 = arith.constant 0.000000e+00 : f32
    %broadcast_in_dim3A_40 = vector.broadcast %broadcast_in_dim3A_39 : f32 to vector<640x64xf32>
    %concatenate3A = tpu.concatenate %select_n3A_30, %broadcast_in_dim3A_40 in 1 : vector<640x64xf32>, vector<640x64xf32> -> vector<640x128xf32>
    %swap3A_41 = arith.constant 1 : index
    %swap3A_42 = arith.constant 0 : index
    %swap3A_43 = arith.constant 0 : index
    %swap3A_44 = vector.load %arg5[%swap3A_41, %swap3A_42, %swap3A_43] : memref<2x640x128xf32, #tpu.memory_space<vmem>>, vector<1x640x128xf32>
    %swap3A_45 = vector.shape_cast %swap3A_44 : vector<1x640x128xf32> to vector<640x128xf32>
    %swap3A_46 = vector.shape_cast %concatenate3A : vector<640x128xf32> to vector<1x640x128xf32>
    tpu.vector_store %arg5[%swap3A_41, %swap3A_42, %swap3A_43], %swap3A_46 {strides = array<i32>} : memref<2x640x128xf32, #tpu.memory_space<vmem>>, vector<1x640x128xf32>,
    return
  }
  func.func @transform_0(%arg0: i32) -> (i32, i32) {
    %c0_i32 = arith.constant 0 : i32
    %c0_i32_0 = arith.constant 0 : i32
    return %arg0, %c0_i32 : i32, i32
  }
  func.func @transform_1(%arg0: i32) -> (i32, i32) {
    %c0_i32 = arith.constant 0 : i32
    %c0_i32_0 = arith.constant 0 : i32
    return %arg0, %c0_i32 : i32, i32
  }
  func.func @transform_2(%arg0: i32) -> (i32, i32, i32) {
    %c0_i32 = arith.constant 0 : i32
    %c0_i32_0 = arith.constant 0 : i32
    %c0_i32_1 = arith.constant 0 : i32
    return %c0_i32, %arg0, %c0_i32_0 : i32, i32, i32
  }
  func.func @transform_3(%arg0: i32) -> (i32, i32) {
    %c0_i32 = arith.constant 0 : i32
    %c0_i32_0 = arith.constant 0 : i32
    %c0_i32_1 = arith.constant 0 : i32
    return %c0_i32, %c0_i32_0 : i32, i32
  }
  func.func @transform_4(%arg0: i32) -> (i32, i32, i32) {
    %c0_i32 = arith.constant 0 : i32
    %c0_i32_0 = arith.constant 0 : i32
    %c0_i32_1 = arith.constant 0 : i32
    return %c0_i32, %arg0, %c0_i32_0 : i32, i32, i32
  }
}

module attributes {stable_mosaic.version = 14 : i64} {
  func.func @_tc3_body(%arg0: i32, %arg1: memref<2x640x128xf32, #tpu.memory_space<vmem>>, %arg2: memref<2x640x128xf32, #tpu.memory_space<vmem>>, %arg3: memref<128x128xf32, #tpu.memory_space<vmem>>, %arg4: memref<64x128xf32, #tpu.memory_space<vmem>>, %arg5: memref<128x128xf32, #tpu.memory_space<vmem>>, %arg6: memref<64x128xf32, #tpu.memory_space<vmem>>, %arg7: memref<1x128xf32, #tpu.memory_space<vmem>>, %arg8: memref<1x128xf32, #tpu.memory_space<vmem>>, %arg9: memref<640x128xf32, #tpu.memory_space<vmem>>) attributes {dimension_semantics = [#tpu.dimension_semantics<arbitrary>], iteration_bounds = array<i64: 16>, scalar_prefetch = 0 : i64, scratch_operands = 0 : i64, tpu.core_type = #tpu.core_type<tc>, window_params = [{transform_indices = @transform_0, window_bounds = array<i64: 2, 640, 128>}, {transform_indices = @transform_1, window_bounds = array<i64: 2, 640, 128>}, {pipeline_mode = #tpu.pipeline_mode<synchronous>, transform_indices = @transform_2, window_bounds = array<i64: 128, 128>}, {pipeline_mode = #tpu.pipeline_mode<synchronous>, transform_indices = @transform_3, window_bounds = array<i64: 64, 128>}, {pipeline_mode = #tpu.pipeline_mode<synchronous>, transform_indices = @transform_4, window_bounds = array<i64: 128, 128>}, {pipeline_mode = #tpu.pipeline_mode<synchronous>, transform_indices = @transform_5, window_bounds = array<i64: 64, 128>}, {pipeline_mode = #tpu.pipeline_mode<synchronous>, transform_indices = @transform_6, window_bounds = array<i64: 1, 128>}, {pipeline_mode = #tpu.pipeline_mode<synchronous>, transform_indices = @transform_7, window_bounds = array<i64: 1, 128>}, {transform_indices = @transform_8, window_bounds = array<i64: 640, 128>}]} {
    %get3A = arith.constant 0 : index
    %get3A_0 = arith.constant 0 : index
    %get3A_1 = arith.constant 0 : index
    %get3A_2 = vector.load %arg1[%get3A, %get3A_0, %get3A_1] : memref<2x640x128xf32, #tpu.memory_space<vmem>>, vector<1x640x128xf32>
    %get3A_3 = vector.shape_cast %get3A_2 : vector<1x640x128xf32> to vector<640x128xf32>
    %get3A_4 = arith.constant 1 : index
    %get3A_5 = arith.constant 0 : index
    %get3A_6 = arith.constant 0 : index
    %get3A_7 = vector.load %arg1[%get3A_4, %get3A_5, %get3A_6] : memref<2x640x128xf32, #tpu.memory_space<vmem>>, vector<1x640x128xf32>
    %get3A_8 = vector.shape_cast %get3A_7 : vector<1x640x128xf32> to vector<640x128xf32>
    %slice3A = vector.extract_strided_slice %get3A_8 {offsets = [0, 0], sizes = [640, 64], strides = [1, 1]} : vector<640x128xf32> to vector<640x64xf32>
    %get3A_9 = arith.constant 0 : index
    %get3A_10 = arith.constant 0 : index
    %get3A_11 = arith.constant 0 : index
    %get3A_12 = vector.load %arg2[%get3A_9, %get3A_10, %get3A_11] : memref<2x640x128xf32, #tpu.memory_space<vmem>>, vector<1x640x128xf32>
    %get3A_13 = vector.shape_cast %get3A_12 : vector<1x640x128xf32> to vector<640x128xf32>
    %get3A_14 = arith.constant 1 : index
    %get3A_15 = arith.constant 0 : index
    %get3A_16 = arith.constant 0 : index
    %get3A_17 = vector.load %arg2[%get3A_14, %get3A_15, %get3A_16] : memref<2x640x128xf32, #tpu.memory_space<vmem>>, vector<1x640x128xf32>
    %get3A_18 = vector.shape_cast %get3A_17 : vector<1x640x128xf32> to vector<640x128xf32>
    %slice3A_19 = vector.extract_strided_slice %get3A_18 {offsets = [0, 0], sizes = [640, 64], strides = [1, 1]} : vector<640x128xf32> to vector<640x64xf32>
    %get3A_20 = arith.constant 0 : index
    %get3A_21 = arith.constant 0 : index
    %get3A_22 = vector.load %arg3[%get3A_20, %get3A_21] : memref<128x128xf32, #tpu.memory_space<vmem>>, vector<128x128xf32>
    %dot_general3A = arith.constant dense<0.000000e+00> : vector<640x128xf32>
    %dot_general3A_23 = tpu.matmul %get3A_3, %get3A_22, %dot_general3A {dimension_numbers = #tpu.dot_dimension_numbers<[1], [0], [0], [1], [0, 0, 1, 1], [], []>, precision = #tpu.contract_precision<fp32>, transpose_lhs_hint = false} : vector<640x128xf32>, vector<128x128xf32>, vector<640x128xf32> -> vector<640x128xf32>
    %get3A_24 = arith.constant 0 : index
    %get3A_25 = arith.constant 0 : index
    %get3A_26 = vector.load %arg5[%get3A_24, %get3A_25] : memref<128x128xf32, #tpu.memory_space<vmem>>, vector<128x128xf32>
    %dot_general3A_27 = arith.constant dense<0.000000e+00> : vector<640x128xf32>
    %dot_general3A_28 = tpu.matmul %get3A_13, %get3A_26, %dot_general3A_27 {dimension_numbers = #tpu.dot_dimension_numbers<[1], [0], [0], [1], [0, 0, 1, 1], [], []>, precision = #tpu.contract_precision<fp32>, transpose_lhs_hint = false} : vector<640x128xf32>, vector<128x128xf32>, vector<640x128xf32> -> vector<640x128xf32>
    %add3A = arith.addf %dot_general3A_23, %dot_general3A_28 : vector<640x128xf32>
    %get3A_29 = arith.constant 0 : index
    %get3A_30 = arith.constant 0 : index
    %get3A_31 = vector.load %arg8[%get3A_29, %get3A_30] : memref<1x128xf32, #tpu.memory_space<vmem>>, vector<1x128xf32>
    %add3A_32 = vector.broadcast %get3A_31 : vector<1x128xf32> to vector<640x128xf32>
    %add3A_33 = arith.addf %add3A, %add3A_32 : vector<640x128xf32>
    %get3A_34 = arith.constant 0 : index
    %get3A_35 = arith.constant 0 : index
    %get3A_36 = vector.load %arg4[%get3A_34, %get3A_35] : memref<64x128xf32, #tpu.memory_space<vmem>>, vector<64x128xf32>
    %dot_general3A_37 = arith.constant dense<0.000000e+00> : vector<640x128xf32>
    %dot_general3A_38 = tpu.matmul %slice3A, %get3A_36, %dot_general3A_37 {dimension_numbers = #tpu.dot_dimension_numbers<[1], [0], [0], [1], [0, 0, 1, 1], [], []>, precision = #tpu.contract_precision<fp32>, transpose_lhs_hint = false} : vector<640x64xf32>, vector<64x128xf32>, vector<640x128xf32> -> vector<640x128xf32>
    %get3A_39 = arith.constant 0 : index
    %get3A_40 = arith.constant 0 : index
    %get3A_41 = vector.load %arg6[%get3A_39, %get3A_40] : memref<64x128xf32, #tpu.memory_space<vmem>>, vector<64x128xf32>
    %dot_general3A_42 = arith.constant dense<0.000000e+00> : vector<640x128xf32>
    %dot_general3A_43 = tpu.matmul %slice3A_19, %get3A_41, %dot_general3A_42 {dimension_numbers = #tpu.dot_dimension_numbers<[1], [0], [0], [1], [0, 0, 1, 1], [], []>, precision = #tpu.contract_precision<fp32>, transpose_lhs_hint = false} : vector<640x64xf32>, vector<64x128xf32>, vector<640x128xf32> -> vector<640x128xf32>
    %add3A_44 = arith.addf %dot_general3A_38, %dot_general3A_43 : vector<640x128xf32>
    %get3A_45 = arith.constant 0 : index
    %get3A_46 = arith.constant 0 : index
    %get3A_47 = vector.load %arg7[%get3A_45, %get3A_46] : memref<1x128xf32, #tpu.memory_space<vmem>>, vector<1x128xf32>
    %add3A_48 = vector.broadcast %get3A_47 : vector<1x128xf32> to vector<640x128xf32>
    %add3A_49 = arith.addf %add3A_44, %add3A_48 : vector<640x128xf32>
    %ge3A = arith.constant 0.000000e+00 : f32
    %ge3A_50 = vector.broadcast %ge3A : f32 to vector<640x128xf32>
    %ge3A_51 = arith.cmpf oge, %add3A_49, %ge3A_50 : vector<640x128xf32>
    %mul3A = arith.constant 0.00999999977 : f32
    %mul3A_52 = vector.broadcast %mul3A : f32 to vector<640x128xf32>
    %mul3A_53 = arith.mulf %mul3A_52, %add3A_49 : vector<640x128xf32>
    %select_n3A = arith.select %ge3A_51, %add3A_49, %mul3A_53 : vector<640x128xi1>, vector<640x128xf32>
    %ge3A_54 = arith.constant 0.000000e+00 : f32
    %ge3A_55 = vector.broadcast %ge3A_54 : f32 to vector<640x128xf32>
    %ge3A_56 = arith.cmpf oge, %add3A_33, %ge3A_55 : vector<640x128xf32>
    %mul3A_57 = arith.constant 0.00999999977 : f32
    %mul3A_58 = vector.broadcast %mul3A_57 : f32 to vector<640x128xf32>
    %mul3A_59 = arith.mulf %mul3A_58, %add3A_33 : vector<640x128xf32>
    %select_n3A_60 = arith.select %ge3A_56, %add3A_33, %mul3A_59 : vector<640x128xi1>, vector<640x128xf32>
    %add3A_61 = arith.addf %select_n3A, %select_n3A_60 : vector<640x128xf32>
    %ge3A_62 = arith.constant 0.000000e+00 : f32
    %ge3A_63 = vector.broadcast %ge3A_62 : f32 to vector<640x128xf32>
    %ge3A_64 = arith.cmpf oge, %add3A_61, %ge3A_63 : vector<640x128xf32>
    %mul3A_65 = arith.constant 0.00999999977 : f32
    %mul3A_66 = vector.broadcast %mul3A_65 : f32 to vector<640x128xf32>
    %mul3A_67 = arith.mulf %mul3A_66, %add3A_61 : vector<640x128xf32>
    %select_n3A_68 = arith.select %ge3A_64, %add3A_61, %mul3A_67 : vector<640x128xi1>, vector<640x128xf32>
    %swap3A = arith.constant 0 : index
    %swap3A_69 = arith.constant 0 : index
    %swap3A_70 = vector.load %arg9[%swap3A, %swap3A_69] : memref<640x128xf32, #tpu.memory_space<vmem>>, vector<640x128xf32>
    tpu.vector_store %arg9[%swap3A, %swap3A_69], %select_n3A_68 {strides = array<i32>} : memref<640x128xf32, #tpu.memory_space<vmem>>, vector<640x128xf32>,
    return
  }
  func.func @transform_0(%arg0: i32) -> (i32, i32, i32) {
    %c0_i32 = arith.constant 0 : i32
    %c0_i32_0 = arith.constant 0 : i32
    %c0_i32_1 = arith.constant 0 : i32
    return %c0_i32, %arg0, %c0_i32_0 : i32, i32, i32
  }
  func.func @transform_1(%arg0: i32) -> (i32, i32, i32) {
    %c0_i32 = arith.constant 0 : i32
    %c0_i32_0 = arith.constant 0 : i32
    %c0_i32_1 = arith.constant 0 : i32
    return %c0_i32, %arg0, %c0_i32_0 : i32, i32, i32
  }
  func.func @transform_2(%arg0: i32) -> (i32, i32) {
    %c0_i32 = arith.constant 0 : i32
    %c0_i32_0 = arith.constant 0 : i32
    %c0_i32_1 = arith.constant 0 : i32
    return %c0_i32, %c0_i32_0 : i32, i32
  }
  func.func @transform_3(%arg0: i32) -> (i32, i32) {
    %c0_i32 = arith.constant 0 : i32
    %c0_i32_0 = arith.constant 0 : i32
    %c0_i32_1 = arith.constant 0 : i32
    return %c0_i32, %c0_i32_0 : i32, i32
  }
  func.func @transform_4(%arg0: i32) -> (i32, i32) {
    %c0_i32 = arith.constant 0 : i32
    %c0_i32_0 = arith.constant 0 : i32
    %c0_i32_1 = arith.constant 0 : i32
    return %c0_i32, %c0_i32_0 : i32, i32
  }
  func.func @transform_5(%arg0: i32) -> (i32, i32) {
    %c0_i32 = arith.constant 0 : i32
    %c0_i32_0 = arith.constant 0 : i32
    %c0_i32_1 = arith.constant 0 : i32
    return %c0_i32, %c0_i32_0 : i32, i32
  }
  func.func @transform_6(%arg0: i32) -> (i32, i32) {
    %c0_i32 = arith.constant 0 : i32
    %c0_i32_0 = arith.constant 0 : i32
    %c0_i32_1 = arith.constant 0 : i32
    return %c0_i32, %c0_i32_0 : i32, i32
  }
  func.func @transform_7(%arg0: i32) -> (i32, i32) {
    %c0_i32 = arith.constant 0 : i32
    %c0_i32_0 = arith.constant 0 : i32
    %c0_i32_1 = arith.constant 0 : i32
    return %c0_i32, %c0_i32_0 : i32, i32
  }
  func.func @transform_8(%arg0: i32) -> (i32, i32) {
    %c0_i32 = arith.constant 0 : i32
    %c0_i32_0 = arith.constant 0 : i32
    return %arg0, %c0_i32 : i32, i32
  }
}

</mosaic_0001>

<sc_bundles>
// kernel: kernel.10.cloned.1.call-start
scs
__scs_entry_jumppad:
0x0: {  	(pc) =	sbr.rel $0x88, $3  }
0x1: {  	(tag) =	ssettag $0x0;
	lr =	simm.s32 $0x1  }
0x2: {  	[smem:$0x3F94] =	sst lr;
	_ =	strace $0xD0000000  }
0x3: {  	_ = 	snop  }
0x4: {  	_ = 	snop  }
0x5: {  	_ = 	snop  }
0x6: {  	_ = 	snop  }
0x7: {  	_ = 	snop  }
__scs_overlays_trampoline_lowered:
0x8: {  	[smem:$0x3FA3] =	sst s0  }
0x9: {  	[smem:$0x3FA4] =	sst s1  }
0xa: {  	[smem:$0x3FA5] =	sst s2  }
0xb: {  	[smem:$0x3FA6] =	sst s3  }
0xc: {  	[smem:$0x3FA7] =	sst s4  }
0xd: {  	[smem:$0x3FA8] =	sst s5  }
0xe: {  	[smem:$0x3FA9] =	sst s6  }
0xf: {  	[smem:$0x3FAA] =	sst s7  }
0x10: {  	[smem:$0x3FAB] =	sst s8  }
0x11: {  	[smem:$0x3FAC] =	sst s9;
	s0 =	simm.s32 @!p0 $0x0  }
0x12: {  	s1 =	sld [smem:$0x3F92];
	s0 =	simm.s32 @p0 $0x1  }
0x13: {  	[smem:$0x3FAD] =	sst s0;
	s0 =	simm.s32 @!p1 $0x0  }
0x14: {  	s2 =	sld [smem:$0x3F91];
	s0 =	simm.s32 @p1 $0x1  }
0x15: {  	[smem:$0x3FAE] =	sst s0;
	s0 =	simm.s32 @!p2 $0x0  }
0x16: {  	s3 =	sld [smem:$0x3FDB];
	s0 =	simm.s32 @p2 $0x1  }
0x17: {  	s4 =	simm.s32 $0x1BF5;
	[smem:$0x3FB0] =	sst s0  }
0x18: {  	s0 =	sld [smem:$0x3F93];
	_ =	swait.ge [sflag:s4], $0x0  }
0x19: {  	s7 =	sld [smem:$0x3F94]  }
0x1a: {  	s8 =	sadd.s32 $0xFFFFE003, lr  }
0x1b: {  	s9 =	sadd.s32 $0xFFFFFEF7, lr;
	s5 =	simm.s32 $0xFFFFFFFF;
	p2 =	slt.u32 s8, $0xFFFFF086  }
0x1c: {  	p1 =	slt.u32 s9, $0xF7A;
	s5 =	simm.s32 @!p2 $0x0  }
0x1d: {  	s5 =	simm.s32 @p1 $0x1;
	p0 =	seq.s32 s7, s2  }
0x1e: {  	s7 =	smul.u32 @!p0 $0xF7A, s2;
	p2 =	seq.s32 @!p0 s5, $0x0  }
0x1f: {  	s9 =	smul.u32 $0xF7A, s1;
	s8 =	simm.s32 @!p0 $0x1BF5;
	p2 =	por !p2, p0  }
0x20: {  	[sflag:s8] =	ssyncset.s32 @!p0 $0xFFFFF086;
	s6 =	sadd.s32 @!p0 s3, s7;
	s7 =	simm.s32 @!p0 $0x108  }
0x21: {  	s3 =	sadd.s32 s3, s9;
	s6 =	sadd.s32 @!p0 $0x88, s6;
	s7 =	simm.s32 @p2 $0x1082  }
0x22: {  	[simem:s7], [sflag:s8] =	dma.local @!p0 [hbm:s6], $0xF7A  }
0x23: {  	s9 =	sor.u32 $0xD0000000, s2;
	s6 =	simm.s32 $0x108;
	_ =	swait.ge @!p0 [sflag:s8], $0x0  }
0x24: {  	s3 =	sadd.s32 $0x88, s3;
	s6 =	simm.s32 @!p1 $0x1082;
	[sflag:s4] =	ssyncset.s32 $0xFFFFF086  }
0x25: {  	[simem:s6], [sflag:s4] =	dma.local [hbm:s3], $0xF7A  }
0x26: {  	[smem:$0x3F94] =	sst s1;
	(tag) =	ssettag s2;
	_ =	strace s9  }
0x27: {  	s1 =	sld [smem:$0x3FA4]  }
0x28: {  	s2 =	sld [smem:$0x3FA5]  }
0x29: {  	s4 =	sld [smem:$0x3FA7]  }
0x2a: {  	p0 =	seq.s32 s5, $0x0;
	s5 =	sld [smem:$0x3FA8]  }
0x2b: {  	s6 =	sld [smem:$0x3FA9]  }
0x2c: {  	s7 =	sld [smem:$0x3FAA]  }
0x2d: {  	s3 =	simm.s32 $0x108;
	s8 =	sld [smem:$0x3FAB]  }
0x2e: {  	s3 =	simm.s32 @!p0 $0x1082;
	s9 =	sld [smem:$0x3FAC]  }
0x2f: {  	lr =	sadd.s32 s0, s3;
	s0 =	sld [smem:$0x3FA3]  }
0x30: {  	s3 =	sld [smem:$0x3FA6]  }
0x31: {  	[smem:$0x3FAF] =	sst s10  }
0x32: {  	s10 =	sld [smem:$0x3FAD];
	_ =	sdelay $0x3  }
0x33: {  	p0 =	seq.s32 s10, $0x1;
	s10 =	sld [smem:$0x3FAF];
	_ =	sdelay $0x3  }
0x34: {  	[smem:$0x3FAF] =	sst s10  }
0x35: {  	s10 =	sld [smem:$0x3FAE];
	_ =	sdelay $0x3  }
0x36: {  	p1 =	seq.s32 s10, $0x1;
	s10 =	sld [smem:$0x3FAF];
	_ =	sdelay $0x3  }
0x37: {  	[smem:$0x3FAF] =	sst s10  }
0x38: {  	s10 =	sld [smem:$0x3FB0]  }
0x39: {  	_ = 	snop;
	(pc) =	sbr.ind lr, $3  }
0x3a: {  	_ = 	snop  }
0x3b: {  	_ = 	snop  }
0x3c: {  	p2 =	seq.s32 s10, $0x1;
	s10 =	sld [smem:$0x3FAF]  }
0x3d: {  	_ =	shalt  }
0x3e: {  	_ =	shalt  }
0x3f: {  	_ =	shalt  }
0x40: {  	_ =	shalt  }
0x41: {  	_ =	shalt  }
0x42: {  	_ =	shalt  }
0x43: {  	_ =	shalt  }
0x44: {  	_ =	shalt  }
0x45: {  	_ =	shalt  }
0x46: {  	_ =	shalt  }
0x47: {  	_ =	shalt  }
0x48: {  	_ =	shalt  }
0x49: {  	_ =	shalt  }
0x4a: {  	_ =	shalt  }
0x4b: {  	_ =	shalt  }
0x4c: {  	_ =	shalt  }
0x4d: {  	_ =	shalt  }
0x4e: {  	_ =	shalt  }
0x4f: {  	_ =	shalt  }
0x50: {  	_ =	shalt  }
0x51: {  	_ =	shalt  }
0x52: {  	_ =	shalt  }
0x53: {  	_ =	shalt  }
0x54: {  	_ =	shalt  }
0x55: {  	_ =	shalt  }
0x56: {  	_ =	shalt  }
0x57: {  	_ =	shalt  }
0x58: {  	_ =	shalt  }
0x59: {  	_ =	shalt  }
0x5a: {  	_ =	shalt  }
0x5b: {  	_ =	shalt  }
0x5c: {  	_ =	shalt  }
0x5d: {  	_ =	shalt  }
0x5e: {  	_ =	shalt  }
0x5f: {  	_ =	shalt  }
0x60: {  	_ =	shalt  }
0x61: {  	_ =	shalt  }
0x62: {  	_ =	shalt  }
0x63: {  	_ =	shalt  }
0x64: {  	_ =	shalt  }
0x65: {  	_ =	shalt  }
0x66: {  	_ =	shalt  }
0x67: {  	_ =	shalt  }
0x68: {  	_ =	shalt  }
0x69: {  	_ =	shalt  }
0x6a: {  	_ =	shalt  }
0x6b: {  	_ =	shalt  }
0x6c: {  	_ =	shalt  }
0x6d: {  	_ =	shalt  }
0x6e: {  	_ =	shalt  }
0x6f: {  	_ =	shalt  }
0x70: {  	_ =	shalt  }
0x71: {  	_ =	shalt  }
0x72: {  	_ =	shalt  }
0x73: {  	_ =	shalt  }
0x74: {  	_ =	shalt  }
0x75: {  	_ =	shalt  }
0x76: {  	_ =	shalt  }
0x77: {  	_ =	shalt  }
0x78: {  	_ =	shalt  }
0x79: {  	_ =	shalt  }
0x7a: {  	_ =	shalt  }
0x7b: {  	_ =	shalt  }
0x7c: {  	_ =	shalt  }
0x7d: {  	_ =	shalt  }
0x7e: {  	_ =	shalt  }
0x7f: {  	_ =	shalt  }
0x80: {  	_ =	shalt  }
0x81: {  	_ =	shalt  }
0x82: {  	_ =	shalt  }
0x83: {  	_ =	shalt  }
0x84: {  	_ =	shalt  }
0x85: {  	_ =	shalt  }
0x86: {  	_ =	shalt  }
0x87: {  	_ =	shalt  }
.Lfunc_end0:
.L_simem_size_0:
called_computation.1_lowered:
.L_overlay_start_0:
0x88: {  	s2 =	sld [smem:$0x3FD9]  }
0x89: {  	s3 =	sld [smem:$0x3FFE];
	_ =	sdelay $0x1  }
0x8a: {  	s1 =	srdreg.scid  }
0x8b: {  	s0 =	sand.u32 $0x1, s1  }
0x8c: {  	s16 =	sshll.u32 s0, $0xA;
	s2 =	sadd.s32 s3, s2  }
0x8d: {  	s2 =	sadd.s32 s2, s16  }
0x8e: {  	[smem:$0x3FBB] =	sst s2  }
0x8f: {  	_ = 	snop  }
0x90: {  	(tm) =	ssettm $0x1  }
0x91: {  	s17 =	sld [smem:$0x3FFB];
	_ =	sdelay $0x3  }
0x92: {  	_ =	strace s17  }
0x93: {  	s2 =	sld [smem:$0x3FFC];
	_ =	sdelay $0x3  }
0x94: {  	_ =	strace s2  }
0x95: {  	s2 =	sld [smem:$0x3FFD];
	_ =	sdelay $0x3  }
0x96: {  	_ =	strace s2  }
0x97: {  	_ =	strace $0x8FFFFFFF  }
0x98: {  	s18 =	sld [smem:$0x3FDB];
	_ =	sdelay $0x1  }
0x99: {  	s19 =	simm.s32 $_scs_section_size  }
0x9a: {  	s4 =	simm.s32 $_size__tile_overlayer_lowered;
	s5 =	simm.s32 $_tile_overlayer_lowered  }
0x9b: {  	s22 =	simm.s32 $0x1BFF;
	s21 =	sshll.u32 s5, $0x1;
	s2 =	sadd.s32 s19, s18  }
0x9c: {  	s6 =	simm.s32 $0x0;
	s20 =	sshll.u32 s4, $0x1;
	s4 =	sadd.s32 s21, s2  }
0x9d: {  	[timem:s6], [sflag:s22] =	dma.local [hbm:s4], s20  }
0x9e: {  	_ =	swait.ge [sflag:s22], s20  }
0x9f: {  	s3 =	ssub.s32 $0x0, s20;
	[sflag:s22] =	ssyncset.done $0x0  }
0xa0: {  	[sflag:s22] =	ssyncadd.s32 s3;
	_ =	sdelay $0x1  }
0xa1: {  	s23 =	simm.s32 $0x1B8B  }
0xa2: {  	_ =	swait.ge [sflag:s23], $0x1  }
0xa3: {  	[sflag:s23] =	ssyncset.done $0x0  }
0xa4: {  	s25 =	simm.s32 $0x1B8E;
	s24 =	sld [smem:$0x3FFE];
	[sflag:s23] =	ssyncadd.s32 $0xFFFFFFFF  }
0xa5: {  	s26 =	simm.s32 $execute0_lowered;
	[smem:$0x3FD2] =	sst s25  }
0xa6: {  	s4 =	sshll.u32 s26, $0x1;
	_ =	strace $0x80000049;
	[dreg:$0x1] =	wrdreg $0xFFFFFFFF  }
0xa7: {  	s28 =	simm.s32 $_size_execute0_lowered;
	s2 =	sadd.s32 s2, s4;
	[dreg:$0x0] =	wrdreg $0x0  }
0xa8: {  	s4 =	sshll.u32 s28, $0x1;
	[dreg:$0x2] =	wrdreg s2  }
0xa9: {  	[dreg:$0x3] =	wrdreg s4  }
0xaa: {  	[dreg:$0x4] =	wrdreg $0xC0  }
0xab: {  	_ =	task [dreg:s6], $0x5FFFF  }
0xac: {  	[dreg:$0x1] =	wrdreg $0xFFFFFFFF  }
0xad: {  	[dreg:$0x0] =	wrdreg $0x60  }
0xae: {  	[dreg:$0x2] =	wrdreg s24  }
0xaf: {  	[dreg:$0x3] =	wrdreg $0x0  }
0xb0: {  	[dreg:$0x4] =	wrdreg $0x9  }
0xb1: {  	_ =	task.clear_ibuf [dreg:s6], $0x5FFFF;
	_ =	strace $0x90000049  }
0xb2: {  	s29 =	simm.s32 $0x9;
	_ =	strace $0x8000004B  }
0xb3: {  	_ =	swait.ge [sflag:s29], $0x1  }
0xb4: {  	[sflag:s29] =	ssyncadd.s32 $0xFFFFFFFF  }
0xb5: {  	_ =	strace $0x9000004B  }
0xb6: {  	_ =	sfence  }
0xb7: {  	s30 =	sld [smem:$0x0];
	_ =	sdelay $0x2  }
0xb8: {  	s31 =	sshll.u32 s1, $0xD;
	s1 =	sshrl.u32 s1, $0x2  }
0xb9: {  	s3 =	sand.u32 $0x4000, s31;
	s1 =	sadd.s32 s1, s30  }
0xba: {  	s0 =	sor.u32 s3, s0;
	s1 =	sshll.u32 s1, $0x11  }
0xbb: {  	s0 =	sor.u32 s1, s0  }
0xbc: {  	s0 =	sadd.s32 $0x8F2B, s0  }
0xbd: {  	[sflag:s0] =	ssyncadd.remote.s32 $0x1  }
0xbe: {  	_ =	sfence.sel $0xFFFF  }
0xbf: {  	[dreg:$0x0] =	wrdreg $0xFFFFFFFF;
	(pc) =	sbr.abs _section_cstart, $3  }
0xc0: {  	[dreg:$0x1] =	wrdreg $0xFFFFFFFF  }
0xc1: {  	_ =	task.clear_ibuf [dreg:s6], $0x2FFFF;
	_ =	strace $0x9FFFFFFF  }
0xc2: {  	(tm) =	ssettm $0x7FFFFFFF  }
0xc3: {  	_ =	shalt  }
tec
execute0_lowered:
.L_overlay_start_1:
0x0: {  	(tag) =	ssettag $0x1  }
0x1: {  	s0 =	srdreg.scid;
	s4 =	rddreg [dreg:$0x0]  }
0x2: {  	s12 =	stileid.u32;
	s2 =	rddreg [dreg:$0x1]  }
0x3: {  	s3 =	simm.s32 $0x0;
	s25 =	simm.s32 $0x14480;
	s5 =	smul.u32 $0xA000, s12  }
0x4: {  	s29 =	simm.s32 $0x15400;
	s30 =	simm.s32 $0x5;
	s13 =	smul.u32 $0xA00, s12  }
0x5: {  	s1 =	sand.u32 $0x1, s0;
	[smem:$0x7FF] =	sst s3;
	s11 =	smul.u32 $0x50000, s12  }
0x6: {  	s6 =	sshll.u32 s12, $0x7;
	s8 =	sadd.s32 $0x5C400, s4;
	s0 =	smul.u32 $0xA0000, s1  }
0x7: {  	_ =	strace $0x8000004A;
	s6 =	sadd.s32 s6, s4;
	[dreg:$0x15] =	wrdreg s8  }
0x8: {  	s7 =	smul.u32 $0x140000, s1;
	s14 =	ssub.s32 $0x2, s1;
	[dreg:$0x5] =	wrdreg s25  }
0x9: {  	s25 =	simm.s32 $0x14E80;
	s10 =	sshrl.u32 s14, $0x1;
	s6 =	sadd.s32 $0x47C00, s6  }
0xa: {  	s15 =	sshrl.u32 s11, $0x2;
	[dreg:$0xe] =	wrdreg s25;
	s0 =	sadd.s32 s5, s0  }
0xb: {  	s5 =	sadd.s32 s13, s4;
	s8 =	ssub.s32 s14, s10;
	s10 =	smul.u32 $0x14000, s12  }
0xc: {  	[dreg:$0x16] =	wrdreg s6;
	s14 =	sadd.s32 s15, s2;
	s8 =	smax.u32 s8, $0x1  }
0xd: {  	s23 =	sadd.s32 $0x48400, s5;
	s5 =	sadd.s32 $0x52400, s5;
	[dreg:$0x17] =	wrdreg s14  }
0xe: {  	s16 =	sadd.s32 s7, s10;
	s17 =	sadd.s32 $0x4000, s10;
	[dreg:$0x18] =	wrdreg s8  }
0xf: {  	s20 =	sadd.s32 $0x8000, s10;
	[dreg:$0x3] =	wrdreg s23;
	s24 =	sadd.s32 $0xC000, s10  }
0x10: {  	[dreg:$0x4] =	wrdreg s5;
	s10 =	sadd.s32 $0x10000, s10;
	s23 =	simm.s32 $0x14680  }
0x11: {  	s8 =	sshrl.u32 s16, $0x3;
	s18 =	sadd.s32 s7, s17;
	s16 =	sadd.s32 s17, s2  }
0x12: {  	s22 =	sadd.s32 s7, s20;
	s26 =	sadd.s32 s24, s2;
	[dreg:$0xc] =	wrdreg s23  }
0x13: {  	s13 =	sadd.s32 s20, s2;
	s17 =	simm.s32 $0x14500;
	[dreg:$0x1e] =	wrdreg s26  }
0x14: {  	s12 =	sadd.s32 s7, s24;
	s20 =	simm.s32 $0x14D00;
	[dreg:$0x7] =	wrdreg s17  }
0x15: {  	s7 =	sadd.s32 s7, s10;
	s10 =	sadd.s32 s10, s2;
	[dreg:$0x9] =	wrdreg s20  }
0x16: {  	s0 =	sshrl.u32 s0, $0x3;
	s24 =	simm.s32 $0x14E00;
	[smem:$0x7F1] =	sst s10  }
0x17: {  	s0 =	sadd.s32 s0, s4;
	s23 =	simm.s32 $0x14880;
	[dreg:$0xd] =	wrdreg s24  }
0x18: {  	s9 =	smul.u32 $0x28000, s1;
	s25 =	sadd.s32 $0x2400, s0;
	[dreg:$0x14] =	wrdreg s23  }
0x19: {  	s1 =	sadd.s32 $0xD4400, s4;
	s4 =	sadd.s32 $0x84400, s4;
	[smem:$0x7FA] =	sst s25  }
0x1a: {  	s6 =	sadd.s32 s4, s9;
	s19 =	sadd.s32 s4, s8;
	[dreg:$0x1a] =	wrdreg s16  }
0x1b: {  	s9 =	sshrl.u32 s18, $0x3;
	s18 =	simm.s32 $0x14580;
	[dreg:$0x19] =	wrdreg s19  }
0x1c: {  	s11 =	sshrl.u32 s22, $0x3;
	s22 =	simm.s32 $0x14600;
	[dreg:$0x8] =	wrdreg s18  }
0x1d: {  	s31 =	simm.s32 $0x14A00;
	s26 =	sadd.s32 s1, s8;
	[dreg:$0xb] =	wrdreg s22  }
0x1e: {  	s28 =	simm.s32 $0x15300;
	s8 =	simm.s32 $0x14700;
	[smem:$0x7F3] =	sst s26  }
0x1f: {  	s5 =	simm.s32 $0x80;
	s20 =	simm.s32 $0x14F80;
	[dreg:$0xf] =	wrdreg s8  }
0x20: {  	s12 =	sshrl.u32 s12, $0x3;
	s24 =	sadd.s32 $0x2000, s0;
	[dreg:$0x12] =	wrdreg s20  }
0x21: {  	s7 =	sshrl.u32 s7, $0x3;
	s21 =	sadd.s32 s4, s9;
	[smem:$0x7F9] =	sst s24  }
0x22: {  	s23 =	simm.s32 $0x14A80;
	s15 =	sadd.s32 s4, s11;
	[dreg:$0x1b] =	wrdreg s21  }
0x23: {  	s25 =	simm.s32 $0x15280;
	s19 =	sadd.s32 s4, s12;
	[dreg:$0x1d] =	wrdreg s15  }
0x24: {  	s4 =	sadd.s32 s4, s7;
	s10 =	sadd.s32 s1, s9;
	[dreg:$0x1f] =	wrdreg s19  }
0x25: {  	s17 =	sadd.s32 s1, s11;
	s18 =	simm.s32 $0x14F00;
	[smem:$0x7F2] =	sst s4  }
0x26: {  	s22 =	sadd.s32 $0x1C00, s0;
	s26 =	sadd.s32 $0x2800, s0;
	[smem:$0x7F4] =	sst s10  }
0x27: {  	s0 =	sadd.s32 $0x2C00, s0;
	s8 =	simm.s32 $0x1;
	[smem:$0x7F5] =	sst s17  }
0x28: {  	s9 =	simm.s32 $0x19400;
	s11 =	simm.s32 $0x2;
	[dreg:$0x11] =	wrdreg s18  }
0x29: {  	s20 =	simm.s32 $0x14980;
	s24 =	simm.s32 $0x15200;
	[smem:$0x7F8] =	sst s22  }
0x2a: {  	s15 =	simm.s32 $0x14C80;
	s21 =	simm.s32 $0x14D80;
	[smem:$0x7FB] =	sst s26  }
0x2b: {  	s19 =	sadd.s32 s1, s12;
	s12 =	smov.u32 s13;
	[smem:$0x7FC] =	sst s0  }
0x2c: {  	s1 =	sadd.s32 s1, s7;
	s0 =	simm.s32 $0x14400;
	[dreg:$0x6] =	wrdreg s15  }
0x2d: {  	s4 =	simm.s32 $0x14C00;
	s13 =	simm.s32 $0x3;
	[dreg:$0xa] =	wrdreg s21  }
0x2e: {  	s17 =	simm.s32 $0x15000;
	s18 =	simm.s32 $0x15080;
	[smem:$0x7F6] =	sst s19  }
0x2f: {  	s22 =	simm.s32 $0x15180;
	s26 =	simm.s32 $0x14B00;
	[smem:$0x7F7] =	sst s1  }
0x30: {  	s7 =	simm.s32 $0x14B80;
	s15 =	simm.s32 $0x14780;
	[dreg:$0x1c] =	wrdreg s12  }
0x31: {  	s10 =	simm.s32 $0x15380;
	s21 =	simm.s32 $0x14800;
	[dreg:$0x10] =	wrdreg s15  }
0x32: {  	s19 =	simm.s32 $0x14900;
	s1 =	simm.s32 $0x0;
	[dreg:$0x13] =	wrdreg s21  }
0x33: {  	s15 =	simm.s32 $0x4;
	s21 =	simm.s32 $0x15100;
	[smem:$0x7FD] =	sst s1  }
.LBB2_1:
0x34: {  	s1 =	rddreg [dreg:$0x15]  }
0x35: {  	[tilespmem:s29], [sflag:$0x5] =	stream.linear.gather [hbm4b:s1+s3], $0x4000, $0x38;
	[tilespmem:$0x1D400] =	vst v63  }
0x36: {  	_ =	swait.ge [sflag:s30], $0x4000  }
0x37: {  	[sflag:s30] =	ssyncset.done $0x0  }
0x38: {  	[sflag:s30] =	ssyncadd.s32 $0xFFFFC000  }
0x39: {  	[spmem:s14] =	stream.linear.scatter [tilespmem:s29], [sflag:$0x5], $0x4000, $0x38;
	[tilespmem:$0x1D400] =	vst v63  }
0x3a: {  	_ =	swait.ge [sflag:s30], $0x4000  }
0x3b: {  	[sflag:s30] =	ssyncset.done $0x0  }
0x3c: {  	s14 =	rddreg [dreg:$0x19];
	[sflag:s30] =	ssyncadd.s32 $0xFFFFC000  }
0x3d: {  	[hbm4b:s14+s3] =	stream.linear.scatter [tilespmem:s29], [sflag:$0x5], $0x4000, $0x38;
	[tilespmem:$0x1D400] =	vst v63  }
0x3e: {  	_ =	swait.ge [sflag:s30], $0x4000  }
0x3f: {  	[sflag:s30] =	ssyncset.done $0x0  }
0x40: {  	[sflag:s30] =	ssyncadd.s32 $0xFFFFC000  }
0x41: {  	[spmem:s16] =	stream.linear.scatter [tilespmem:s29], [sflag:$0x5], $0x4000, $0x38;
	[tilespmem:$0x1D400] =	vst v63  }
0x42: {  	_ =	swait.ge [sflag:s30], $0x4000  }
0x43: {  	[sflag:s30] =	ssyncset.done $0x0  }
0x44: {  	s14 =	rddreg [dreg:$0x1b];
	[sflag:s30] =	ssyncadd.s32 $0xFFFFC000  }
0x45: {  	[hbm4b:s14+s3] =	stream.linear.scatter [tilespmem:s29], [sflag:$0x5], $0x4000, $0x38;
	[tilespmem:$0x1D400] =	vst v63  }
0x46: {  	_ =	swait.ge [sflag:s30], $0x4000  }
0x47: {  	[sflag:s30] =	ssyncset.done $0x0  }
0x48: {  	[sflag:s30] =	ssyncadd.s32 $0xFFFFC000  }
0x49: {  	[spmem:s12] =	stream.linear.scatter [tilespmem:s29], [sflag:$0x5], $0x4000, $0x38;
	[tilespmem:$0x1D400] =	vst v63  }
0x4a: {  	_ =	swait.ge [sflag:s30], $0x4000  }
0x4b: {  	[sflag:s30] =	ssyncset.done $0x0  }
0x4c: {  	s16 =	rddreg [dreg:$0x1d];
	[sflag:s30] =	ssyncadd.s32 $0xFFFFC000  }
0x4d: {  	[hbm4b:s16+s3] =	stream.linear.scatter [tilespmem:s29], [sflag:$0x5], $0x4000, $0x38;
	[tilespmem:$0x1D400] =	vst v63  }
0x4e: {  	_ =	swait.ge [sflag:s30], $0x4000  }
0x4f: {  	[sflag:s30] =	ssyncset.done $0x0  }
0x50: {  	s12 =	rddreg [dreg:$0x1e];
	[sflag:s30] =	ssyncadd.s32 $0xFFFFC000  }
0x51: {  	[spmem:s12] =	stream.linear.scatter [tilespmem:s29], [sflag:$0x5], $0x4000, $0x38;
	[tilespmem:$0x1D400] =	vst v63  }
0x52: {  	_ =	swait.ge [sflag:s30], $0x4000  }
0x53: {  	[sflag:s30] =	ssyncset.done $0x0  }
0x54: {  	s14 =	rddreg [dreg:$0x1f];
	[sflag:s30] =	ssyncadd.s32 $0xFFFFC000  }
0x55: {  	[hbm4b:s14+s3] =	stream.linear.scatter [tilespmem:s29], [sflag:$0x5], $0x4000, $0x38;
	[tilespmem:$0x1D400] =	vst v63  }
0x56: {  	_ =	swait.ge [sflag:s30], $0x4000  }
0x57: {  	s16 =	sld [smem:$0x7F1]  }
0x58: {  	[sflag:s30] =	ssyncset.done $0x0  }
0x59: {  	[sflag:s30] =	ssyncadd.s32 $0xFFFFC000  }
0x5a: {  	[spmem:s16] =	stream.linear.scatter [tilespmem:s29], [sflag:$0x5], $0x4000, $0x38;
	[tilespmem:$0x1D400] =	vst v63  }
0x5b: {  	_ =	swait.ge [sflag:s30], $0x4000  }
0x5c: {  	s12 =	sld [smem:$0x7F2]  }
0x5d: {  	[sflag:s30] =	ssyncset.done $0x0  }
0x5e: {  	[sflag:s30] =	ssyncadd.s32 $0xFFFFC000  }
0x5f: {  	[hbm4b:s12+s3] =	stream.linear.scatter [tilespmem:s29], [sflag:$0x5], $0x4000, $0x38;
	[tilespmem:$0x1D400] =	vst v63  }
0x60: {  	_ =	swait.ge [sflag:s30], $0x4000  }
0x61: {  	[sflag:s30] =	ssyncset.done $0x0  }
0x62: {  	[sflag:s30] =	ssyncadd.s32 $0xFFFFC000  }
0x63: {  	[bflag:$0x0] =	sbarrier.arrive $0xFFFF  }
0x64: {  	s16 =	simm.s32 $0x14000;
	s14 =	rddreg [dreg:$0x16]  }
0x65: {  	[tilespmem:s16], [sflag:$0x5] =	stream.linear.gather [hbm4b:s14+s3], $0x400, $0x38;
	[tilespmem:$0x1D400] =	vst v63  }
0x66: {  	_ =	swait.ge [sflag:s30], $0x400  }
0x67: {  	s14 =	sld [smem:$0x7F8]  }
0x68: {  	[sflag:s30] =	ssyncset.done $0x0  }
0x69: {  	[sflag:s30] =	ssyncadd.s32 $0xFFFFFC00  }
0x6a: {  	[tilespmem:s29], [sflag:$0x5] =	stream.linear.gather [hbm4b:s14+s3], $0x2000, $0x38;
	[tilespmem:$0x1D400] =	vst v63  }
0x6b: {  	_ =	swait.ge [sflag:s30], $0x2000  }
0x6c: {  	[sflag:s30] =	ssyncset.done $0x0  }
0x6d: {  	s14 =	simm.s32 $0x40;
	[sflag:s30] =	ssyncadd.s32 $0xFFFFE000  }
0x6e: {  	[hbm4b:s6+s14] =	stream.indirect.scatter [tilespmem:s29], [sflag:$0x5], $0x80, s16, s14, $0xb8;
	[tilespmem:$0x1D400] =	vst v63  }
0x6f: {  	_ =	swait.ge [sflag:s30], $0x2000  }
0x70: {  	s16 =	sld [smem:$0x7F9]  }
0x71: {  	[sflag:s30] =	ssyncset.done $0x0  }
0x72: {  	[sflag:s30] =	ssyncadd.s32 $0xFFFFE000  }
0x73: {  	[tilespmem:s29], [sflag:$0x5] =	stream.linear.gather [hbm4b:s16+s3], $0x2000, $0x38;
	[tilespmem:$0x1D400] =	vst v63  }
0x74: {  	_ =	swait.ge [sflag:s30], $0x2000  }
0x75: {  	[sflag:s30] =	ssyncset.done $0x0  }
0x76: {  	s12 =	simm.s32 $0x14080;
	[sflag:s30] =	ssyncadd.s32 $0xFFFFE000  }
0x77: {  	[hbm4b:s6+s14] =	stream.indirect.scatter [tilespmem:s29], [sflag:$0x5], $0x80, s12, s14, $0xb8;
	[tilespmem:$0x1D400] =	vst v63  }
0x78: {  	_ =	swait.ge [sflag:s30], $0x2000  }
0x79: {  	s16 =	sld [smem:$0x7FA]  }
0x7a: {  	[sflag:s30] =	ssyncset.done $0x0  }
0x7b: {  	[sflag:s30] =	ssyncadd.s32 $0xFFFFE000  }
0x7c: {  	[tilespmem:s29], [sflag:$0x5] =	stream.linear.gather [hbm4b:s16+s3], $0x2000, $0x38;
	[tilespmem:$0x1D400] =	vst v63  }
0x7d: {  	_ =	swait.ge [sflag:s30], $0x2000  }
0x7e: {  	[sflag:s30] =	ssyncset.done $0x0  }
0x7f: {  	s12 =	simm.s32 $0x14100;
	[sflag:s30] =	ssyncadd.s32 $0xFFFFE000  }
0x80: {  	[hbm4b:s6+s14] =	stream.indirect.scatter [tilespmem:s29], [sflag:$0x5], $0x80, s12, s14, $0xb8;
	[tilespmem:$0x1D400] =	vst v63  }
0x81: {  	_ =	swait.ge [sflag:s30], $0x2000  }
0x82: {  	s16 =	sld [smem:$0x7FB]  }
0x83: {  	[sflag:s30] =	ssyncset.done $0x0  }
0x84: {  	[sflag:s30] =	ssyncadd.s32 $0xFFFFE000  }
0x85: {  	[tilespmem:s29], [sflag:$0x5] =	stream.linear.gather [hbm4b:s16+s3], $0x2000, $0x38;
	[tilespmem:$0x1D400] =	vst v63  }
0x86: {  	_ =	swait.ge [sflag:s30], $0x2000  }
0x87: {  	[sflag:s30] =	ssyncset.done $0x0  }
0x88: {  	s12 =	simm.s32 $0x14180;
	[sflag:s30] =	ssyncadd.s32 $0xFFFFE000  }
0x89: {  	[hbm4b:s6+s14] =	stream.indirect.scatter [tilespmem:s29], [sflag:$0x5], $0x80, s12, s14, $0xb8;
	[tilespmem:$0x1D400] =	vst v63  }
0x8a: {  	_ =	swait.ge [sflag:s30], $0x2000  }
0x8b: {  	s16 =	sld [smem:$0x7FC]  }
0x8c: {  	[sflag:s30] =	ssyncset.done $0x0  }
0x8d: {  	[sflag:s30] =	ssyncadd.s32 $0xFFFFE000  }
0x8e: {  	[tilespmem:s29], [sflag:$0x5] =	stream.linear.gather [hbm4b:s16+s3], $0x2000, $0x38;
	[tilespmem:$0x1D400] =	vst v63  }
0x8f: {  	_ =	swait.ge [sflag:s30], $0x2000  }
0x90: {  	[sflag:s30] =	ssyncset.done $0x0  }
0x91: {  	s12 =	simm.s32 $0x14200;
	[sflag:s30] =	ssyncadd.s32 $0xFFFFE000  }
0x92: {  	[hbm4b:s6+s14] =	stream.indirect.scatter [tilespmem:s29], [sflag:$0x5], $0x80, s12, s14, $0xb8;
	[tilespmem:$0x1D400] =	vst v63  }
0x93: {  	_ =	swait.ge [sflag:s30], $0x2000  }
0x94: {  	[sflag:s30] =	ssyncset.done $0x0  }
0x95: {  	[sflag:s30] =	ssyncadd.s32 $0xFFFFE000  }
0x96: {  	[bflag:$0x0] =	sbarrier.arrive $0xFFFF  }
0x97: {  	s16 =	rddreg [dreg:$0x4]  }
0x98: {  	s1 =	sadd.s32 $0x0, s16  }
0x99: {  	[tilespmem:s0], [sflag:$0x5] =	stream.linear.gather [hbm4b:s1+s3], $0x800, $0x38;
	[tilespmem:$0x1D400] =	vst v63  }
0x9a: {  	_ =	swait.ge [sflag:s30], $0x800  }
0x9b: {  	s12 =	rddreg [dreg:$0x3];
	[sflag:s30] =	ssyncset.done $0x0  }
0x9c: {  	[sflag:s30] =	ssyncadd.s32 $0xFFFFF800;
	s1 =	sadd.s32 $0x0, s12  }
0x9d: {  	[tilespmem:s4], [sflag:$0x5] =	stream.linear.gather [hbm4b:s1+s3], $0x800, $0x38;
	[tilespmem:$0x1D400] =	vst v63  }
0x9e: {  	_ =	swait.ge [sflag:s30], $0x800  }
0x9f: {  	[sflag:s30] =	ssyncset.done $0x0  }
0xa0: {  	[sflag:s30] =	ssyncadd.s32 $0xFFFFF800  }
0xa1: {  	[tilespmem:s29], [sflag:$0x1] =	stream.indirect.gather [hbm4b:s6+s5], $0x80, s0, s5, $0xb8;
	[tilespmem:$0x1D400] =	vst v63  }
0xa2: {  	_ =	swait.ge [sflag:s8], $0x4000  }
0xa3: {  	[sflag:s8] =	ssyncset.done $0x0  }
0xa4: {  	s14 =	rddreg [dreg:$0x5];
	[sflag:s8] =	ssyncadd.s32 $0xFFFFC000  }
0xa5: {  	[tilespmem:s9], [sflag:$0x2] =	stream.indirect.gather [hbm4b:s6+s5], $0x80, s14, s5, $0xb8;
	[tilespmem:$0x1D400] =	vst v63  }
0xa6: {  	_ = 	snop  }
0xa7: {  	[spmem:s2] =	stream.indirect.scatter.add.f32 [tilespmem:s29], [sflag:$0x3], $0x80, s4, s5, $0xb8;
	[tilespmem:$0x1D400] =	vst v63  }
0xa8: {  	_ =	swait.ge [sflag:s11], $0x4000  }
0xa9: {  	[sflag:s11] =	ssyncset.done $0x0  }
0xaa: {  	s16 =	rddreg [dreg:$0x6];
	[sflag:s11] =	ssyncadd.s32 $0xFFFFC000  }
0xab: {  	[spmem:s2] =	stream.indirect.scatter.add.f32 [tilespmem:s9], [sflag:$0x4], $0x80, s16, s5, $0xb8;
	[tilespmem:$0x1D400] =	vst v63  }
0xac: {  	_ =	swait.ge [sflag:s13], $0x4000  }
0xad: {  	[sflag:s13] =	ssyncset.done $0x0  }
0xae: {  	s12 =	rddreg [dreg:$0x7];
	[sflag:s13] =	ssyncadd.s32 $0xFFFFC000  }
0xaf: {  	[tilespmem:s29], [sflag:$0x1] =	stream.indirect.gather [hbm4b:s6+s5], $0x80, s12, s5, $0xb8;
	[tilespmem:$0x1D400] =	vst v63  }
0xb0: {  	_ =	swait.ge [sflag:s15], $0x4000  }
0xb1: {  	[sflag:s15] =	ssyncset.done $0x0  }
0xb2: {  	[sflag:s15] =	ssyncadd.s32 $0xFFFFC000  }
0xb3: {  	_ =	swait.ge [sflag:s8], $0x4000  }
0xb4: {  	[sflag:s8] =	ssyncset.done $0x0  }
0xb5: {  	s14 =	rddreg [dreg:$0x8];
	[sflag:s8] =	ssyncadd.s32 $0xFFFFC000  }
0xb6: {  	[tilespmem:s9], [sflag:$0x2] =	stream.indirect.gather [hbm4b:s6+s5], $0x80, s14, s5, $0xb8;
	[tilespmem:$0x1D400] =	vst v63  }
0xb7: {  	s16 =	rddreg [dreg:$0x9]  }
0xb8: {  	[spmem:s2] =	stream.indirect.scatter.add.f32 [tilespmem:s29], [sflag:$0x3], $0x80, s16, s5, $0xb8;
	[tilespmem:$0x1D400] =	vst v63  }
0xb9: {  	_ =	swait.ge [sflag:s11], $0x4000  }
0xba: {  	[sflag:s11] =	ssyncset.done $0x0  }
0xbb: {  	s12 =	rddreg [dreg:$0xa];
	[sflag:s11] =	ssyncadd.s32 $0xFFFFC000  }
0xbc: {  	[spmem:s2] =	stream.indirect.scatter.add.f32 [tilespmem:s9], [sflag:$0x4], $0x80, s12, s5, $0xb8;
	[tilespmem:$0x1D400] =	vst v63  }
0xbd: {  	_ =	swait.ge [sflag:s13], $0x4000  }
0xbe: {  	[sflag:s13] =	ssyncset.done $0x0  }
0xbf: {  	s14 =	rddreg [dreg:$0xb];
	[sflag:s13] =	ssyncadd.s32 $0xFFFFC000  }
0xc0: {  	[tilespmem:s29], [sflag:$0x1] =	stream.indirect.gather [hbm4b:s6+s5], $0x80, s14, s5, $0xb8;
	[tilespmem:$0x1D400] =	vst v63  }
0xc1: {  	_ =	swait.ge [sflag:s15], $0x4000  }
0xc2: {  	[sflag:s15] =	ssyncset.done $0x0  }
0xc3: {  	[sflag:s15] =	ssyncadd.s32 $0xFFFFC000  }
0xc4: {  	_ =	swait.ge [sflag:s8], $0x4000  }
0xc5: {  	[sflag:s8] =	ssyncset.done $0x0  }
0xc6: {  	s16 =	rddreg [dreg:$0xc];
	[sflag:s8] =	ssyncadd.s32 $0xFFFFC000  }
0xc7: {  	[tilespmem:s9], [sflag:$0x2] =	stream.indirect.gather [hbm4b:s6+s5], $0x80, s16, s5, $0xb8;
	[tilespmem:$0x1D400] =	vst v63  }
0xc8: {  	s12 =	rddreg [dreg:$0xd]  }
0xc9: {  	[spmem:s2] =	stream.indirect.scatter.add.f32 [tilespmem:s29], [sflag:$0x3], $0x80, s12, s5, $0xb8;
	[tilespmem:$0x1D400] =	vst v63  }
0xca: {  	_ =	swait.ge [sflag:s11], $0x4000  }
0xcb: {  	[sflag:s11] =	ssyncset.done $0x0  }
0xcc: {  	s16 =	rddreg [dreg:$0xe];
	[sflag:s11] =	ssyncadd.s32 $0xFFFFC000  }
0xcd: {  	[spmem:s2] =	stream.indirect.scatter.add.f32 [tilespmem:s9], [sflag:$0x4], $0x80, s16, s5, $0xb8;
	[tilespmem:$0x1D400] =	vst v63  }
0xce: {  	_ =	swait.ge [sflag:s13], $0x4000  }
0xcf: {  	[sflag:s13] =	ssyncset.done $0x0  }
0xd0: {  	s12 =	rddreg [dreg:$0xf];
	[sflag:s13] =	ssyncadd.s32 $0xFFFFC000  }
0xd1: {  	[tilespmem:s29], [sflag:$0x1] =	stream.indirect.gather [hbm4b:s6+s5], $0x80, s12, s5, $0xb8;
	[tilespmem:$0x1D400] =	vst v63  }
0xd2: {  	_ =	swait.ge [sflag:s15], $0x4000  }
0xd3: {  	[sflag:s15] =	ssyncset.done $0x0  }
0xd4: {  	[sflag:s15] =	ssyncadd.s32 $0xFFFFC000  }
0xd5: {  	_ =	swait.ge [sflag:s8], $0x4000  }
0xd6: {  	[sflag:s8] =	ssyncset.done $0x0  }
0xd7: {  	s14 =	rddreg [dreg:$0x10];
	[sflag:s8] =	ssyncadd.s32 $0xFFFFC000  }
0xd8: {  	[tilespmem:s9], [sflag:$0x2] =	stream.indirect.gather [hbm4b:s6+s5], $0x80, s14, s5, $0xb8;
	[tilespmem:$0x1D400] =	vst v63  }
0xd9: {  	s16 =	rddreg [dreg:$0x11]  }
0xda: {  	[spmem:s2] =	stream.indirect.scatter.add.f32 [tilespmem:s29], [sflag:$0x3], $0x80, s16, s5, $0xb8;
	[tilespmem:$0x1D400] =	vst v63  }
0xdb: {  	_ =	swait.ge [sflag:s11], $0x4000  }
0xdc: {  	[sflag:s11] =	ssyncset.done $0x0  }
0xdd: {  	s12 =	rddreg [dreg:$0x12];
	[sflag:s11] =	ssyncadd.s32 $0xFFFFC000  }
0xde: {  	[spmem:s2] =	stream.indirect.scatter.add.f32 [tilespmem:s9], [sflag:$0x4], $0x80, s12, s5, $0xb8;
	[tilespmem:$0x1D400] =	vst v63  }
0xdf: {  	_ =	swait.ge [sflag:s13], $0x4000  }
0xe0: {  	[sflag:s13] =	ssyncset.done $0x0  }
0xe1: {  	s14 =	rddreg [dreg:$0x13];
	[sflag:s13] =	ssyncadd.s32 $0xFFFFC000  }
0xe2: {  	[tilespmem:s29], [sflag:$0x1] =	stream.indirect.gather [hbm4b:s6+s5], $0x80, s14, s5, $0xb8;
	[tilespmem:$0x1D400] =	vst v63  }
0xe3: {  	_ =	swait.ge [sflag:s15], $0x4000  }
0xe4: {  	[sflag:s15] =	ssyncset.done $0x0  }
0xe5: {  	[sflag:s15] =	ssyncadd.s32 $0xFFFFC000  }
0xe6: {  	_ =	swait.ge [sflag:s8], $0x4000  }
0xe7: {  	[sflag:s8] =	ssyncset.done $0x0  }
0xe8: {  	s16 =	rddreg [dreg:$0x14];
	[sflag:s8] =	ssyncadd.s32 $0xFFFFC000  }
0xe9: {  	[tilespmem:s9], [sflag:$0x2] =	stream.indirect.gather [hbm4b:s6+s5], $0x80, s16, s5, $0xb8;
	[tilespmem:$0x1D400] =	vst v63  }
0xea: {  	_ = 	snop  }
0xeb: {  	[spmem:s2] =	stream.indirect.scatter.add.f32 [tilespmem:s29], [sflag:$0x3], $0x80, s17, s5, $0xb8;
	[tilespmem:$0x1D400] =	vst v63  }
0xec: {  	_ =	swait.ge [sflag:s11], $0x4000  }
0xed: {  	[sflag:s11] =	ssyncset.done $0x0  }
0xee: {  	[sflag:s11] =	ssyncadd.s32 $0xFFFFC000  }
0xef: {  	[spmem:s2] =	stream.indirect.scatter.add.f32 [tilespmem:s9], [sflag:$0x4], $0x80, s18, s5, $0xb8;
	[tilespmem:$0x1D400] =	vst v63  }
0xf0: {  	_ =	swait.ge [sflag:s13], $0x4000  }
0xf1: {  	[sflag:s13] =	ssyncset.done $0x0  }
0xf2: {  	[sflag:s13] =	ssyncadd.s32 $0xFFFFC000  }
0xf3: {  	[tilespmem:s29], [sflag:$0x1] =	stream.indirect.gather [hbm4b:s6+s5], $0x80, s19, s5, $0xb8;
	[tilespmem:$0x1D400] =	vst v63  }
0xf4: {  	_ =	swait.ge [sflag:s15], $0x4000  }
0xf5: {  	[sflag:s15] =	ssyncset.done $0x0  }
0xf6: {  	[sflag:s15] =	ssyncadd.s32 $0xFFFFC000  }
0xf7: {  	_ =	swait.ge [sflag:s8], $0x4000  }
0xf8: {  	[sflag:s8] =	ssyncset.done $0x0  }
0xf9: {  	[sflag:s8] =	ssyncadd.s32 $0xFFFFC000  }
0xfa: {  	[tilespmem:s9], [sflag:$0x2] =	stream.indirect.gather [hbm4b:s6+s5], $0x80, s20, s5, $0xb8;
	[tilespmem:$0x1D400] =	vst v63  }
0xfb: {  	_ = 	snop  }
0xfc: {  	[spmem:s2] =	stream.indirect.scatter.add.f32 [tilespmem:s29], [sflag:$0x3], $0x80, s21, s5, $0xb8;
	[tilespmem:$0x1D400] =	vst v63  }
0xfd: {  	_ =	swait.ge [sflag:s11], $0x4000  }
0xfe: {  	[sflag:s11] =	ssyncset.done $0x0  }
0xff: {  	[sflag:s11] =	ssyncadd.s32 $0xFFFFC000  }
0x100: {  	[spmem:s2] =	stream.indirect.scatter.add.f32 [tilespmem:s9], [sflag:$0x4], $0x80, s22, s5, $0xb8;
	[tilespmem:$0x1D400] =	vst v63  }
0x101: {  	_ =	swait.ge [sflag:s13], $0x4000  }
0x102: {  	[sflag:s13] =	ssyncset.done $0x0  }
0x103: {  	[sflag:s13] =	ssyncadd.s32 $0xFFFFC000  }
0x104: {  	[tilespmem:s29], [sflag:$0x1] =	stream.indirect.gather [hbm4b:s6+s5], $0x80, s31, s5, $0xb8;
	[tilespmem:$0x1D400] =	vst v63  }
0x105: {  	_ =	swait.ge [sflag:s15], $0x4000  }
0x106: {  	[sflag:s15] =	ssyncset.done $0x0  }
0x107: {  	[sflag:s15] =	ssyncadd.s32 $0xFFFFC000  }
0x108: {  	_ =	swait.ge [sflag:s8], $0x4000  }
0x109: {  	[sflag:s8] =	ssyncset.done $0x0  }
0x10a: {  	[sflag:s8] =	ssyncadd.s32 $0xFFFFC000  }
0x10b: {  	[tilespmem:s9], [sflag:$0x2] =	stream.indirect.gather [hbm4b:s6+s5], $0x80, s23, s5, $0xb8;
	[tilespmem:$0x1D400] =	vst v63  }
0x10c: {  	_ = 	snop  }
0x10d: {  	[spmem:s2] =	stream.indirect.scatter.add.f32 [tilespmem:s29], [sflag:$0x3], $0x80, s24, s5, $0xb8;
	[tilespmem:$0x1D400] =	vst v63  }
0x10e: {  	_ =	swait.ge [sflag:s11], $0x4000  }
0x10f: {  	[sflag:s11] =	ssyncset.done $0x0  }
0x110: {  	[sflag:s11] =	ssyncadd.s32 $0xFFFFC000  }
0x111: {  	[spmem:s2] =	stream.indirect.scatter.add.f32 [tilespmem:s9], [sflag:$0x4], $0x80, s25, s5, $0xb8;
	[tilespmem:$0x1D400] =	vst v63  }
0x112: {  	_ =	swait.ge [sflag:s13], $0x4000  }
0x113: {  	[sflag:s13] =	ssyncset.done $0x0  }
0x114: {  	[sflag:s13] =	ssyncadd.s32 $0xFFFFC000  }
0x115: {  	[tilespmem:s29], [sflag:$0x1] =	stream.indirect.gather [hbm4b:s6+s5], $0x80, s26, s5, $0xb8;
	[tilespmem:$0x1D400] =	vst v63  }
0x116: {  	_ =	swait.ge [sflag:s15], $0x4000  }
0x117: {  	[sflag:s15] =	ssyncset.done $0x0  }
0x118: {  	[sflag:s15] =	ssyncadd.s32 $0xFFFFC000  }
0x119: {  	_ =	swait.ge [sflag:s8], $0x4000  }
0x11a: {  	[sflag:s8] =	ssyncset.done $0x0  }
0x11b: {  	[sflag:s8] =	ssyncadd.s32 $0xFFFFC000  }
0x11c: {  	[spmem:s2] =	stream.indirect.scatter.add.f32 [tilespmem:s29], [sflag:$0x3], $0x80, s28, s5, $0xb8;
	[tilespmem:$0x1D400] =	vst v63  }
0x11d: {  	_ = 	snop  }
0x11e: {  	[tilespmem:s9], [sflag:$0x2] =	stream.indirect.gather [hbm4b:s6+s5], $0x80, s7, s5, $0xb8;
	[tilespmem:$0x1D400] =	vst v63  }
0x11f: {  	_ =	swait.ge [sflag:s11], $0x4000  }
0x120: {  	[sflag:s11] =	ssyncset.done $0x0  }
0x121: {  	[sflag:s11] =	ssyncadd.s32 $0xFFFFC000  }
0x122: {  	[spmem:s2] =	stream.indirect.scatter.add.f32 [tilespmem:s9], [sflag:$0x4], $0x80, s10, s5, $0xb8;
	[tilespmem:$0x1D400] =	vst v63  }
0x123: {  	_ =	swait.ge [sflag:s13], $0x4000  }
0x124: {  	[sflag:s13] =	ssyncset.done $0x0  }
0x125: {  	[sflag:s13] =	ssyncadd.s32 $0xFFFFC000  }
0x126: {  	s14 =	simm.s32 $0x100;
	_ =	swait.ge [sflag:s15], $0x4000  }
0x127: {  	s16 =	simm.s32 $0x200;
	s1 =	rddreg [dreg:$0x4];
	[sflag:s15] =	ssyncset.done $0x0  }
.LBB2_2:
0x128: {  	[sflag:s15] =	ssyncadd.s32 $0xFFFFC000;
	s1 =	sadd.s32 s14, s1  }
0x129: {  	[tilespmem:s0], [sflag:$0x5] =	stream.linear.gather [hbm4b:s1+s3], $0x800, $0x38;
	[tilespmem:$0x1D400] =	vst v63  }
0x12a: {  	_ =	swait.ge [sflag:s30], $0x800  }
0x12b: {  	s1 =	rddreg [dreg:$0x3];
	[sflag:s30] =	ssyncset.done $0x0  }
0x12c: {  	[sflag:s30] =	ssyncadd.s32 $0xFFFFF800;
	s1 =	sadd.s32 s14, s1  }
0x12d: {  	[tilespmem:s4], [sflag:$0x5] =	stream.linear.gather [hbm4b:s1+s3], $0x800, $0x38;
	[tilespmem:$0x1D400] =	vst v63  }
0x12e: {  	_ =	swait.ge [sflag:s30], $0x800  }
0x12f: {  	[sflag:s30] =	ssyncset.done $0x0  }
0x130: {  	[sflag:s30] =	ssyncadd.s32 $0xFFFFF800  }
0x131: {  	[tilespmem:s29], [sflag:$0x1] =	stream.indirect.gather [hbm4b:s6+s5], $0x80, s0, s5, $0xb8;
	[tilespmem:$0x1D400] =	vst v63  }
0x132: {  	_ =	swait.ge [sflag:s8], $0x4000  }
0x133: {  	s12 =	smov.u32 s16;
	[sflag:s8] =	ssyncset.done $0x0  }
0x134: {  	s14 =	smov.u32 s12;
	s12 =	rddreg [dreg:$0x5];
	[sflag:s8] =	ssyncadd.s32 $0xFFFFC000  }
0x135: {  	[tilespmem:s9], [sflag:$0x2] =	stream.indirect.gather [hbm4b:s6+s5], $0x80, s12, s5, $0xb8;
	[tilespmem:$0x1D400] =	vst v63  }
0x136: {  	_ = 	snop  }
0x137: {  	[spmem:s2] =	stream.indirect.scatter.add.f32 [tilespmem:s29], [sflag:$0x3], $0x80, s4, s5, $0xb8;
	[tilespmem:$0x1D400] =	vst v63  }
0x138: {  	_ =	swait.ge [sflag:s11], $0x4000  }
0x139: {  	[sflag:s11] =	ssyncset.done $0x0  }
0x13a: {  	s12 =	rddreg [dreg:$0x6];
	[sflag:s11] =	ssyncadd.s32 $0xFFFFC000  }
0x13b: {  	[spmem:s2] =	stream.indirect.scatter.add.f32 [tilespmem:s9], [sflag:$0x4], $0x80, s12, s5, $0xb8;
	[tilespmem:$0x1D400] =	vst v63  }
0x13c: {  	_ =	swait.ge [sflag:s13], $0x4000  }
0x13d: {  	[sflag:s13] =	ssyncset.done $0x0  }
0x13e: {  	s12 =	rddreg [dreg:$0x7];
	[sflag:s13] =	ssyncadd.s32 $0xFFFFC000  }
0x13f: {  	[tilespmem:s29], [sflag:$0x1] =	stream.indirect.gather [hbm4b:s6+s5], $0x80, s12, s5, $0xb8;
	[tilespmem:$0x1D400] =	vst v63  }
0x140: {  	_ =	swait.ge [sflag:s15], $0x4000  }
0x141: {  	[sflag:s15] =	ssyncset.done $0x0  }
0x142: {  	[sflag:s15] =	ssyncadd.s32 $0xFFFFC000  }
0x143: {  	_ =	swait.ge [sflag:s8], $0x4000  }
0x144: {  	[sflag:s8] =	ssyncset.done $0x0  }
0x145: {  	s1 =	rddreg [dreg:$0x8];
	[sflag:s8] =	ssyncadd.s32 $0xFFFFC000  }
0x146: {  	[tilespmem:s9], [sflag:$0x2] =	stream.indirect.gather [hbm4b:s6+s5], $0x80, s1, s5, $0xb8;
	[tilespmem:$0x1D400] =	vst v63  }
0x147: {  	s12 =	rddreg [dreg:$0x9]  }
0x148: {  	[spmem:s2] =	stream.indirect.scatter.add.f32 [tilespmem:s29], [sflag:$0x3], $0x80, s12, s5, $0xb8;
	[tilespmem:$0x1D400] =	vst v63  }
0x149: {  	_ =	swait.ge [sflag:s11], $0x4000  }
0x14a: {  	[sflag:s11] =	ssyncset.done $0x0  }
0x14b: {  	s12 =	rddreg [dreg:$0xa];
	[sflag:s11] =	ssyncadd.s32 $0xFFFFC000  }
0x14c: {  	[spmem:s2] =	stream.indirect.scatter.add.f32 [tilespmem:s9], [sflag:$0x4], $0x80, s12, s5, $0xb8;
	[tilespmem:$0x1D400] =	vst v63  }
0x14d: {  	_ =	swait.ge [sflag:s13], $0x4000  }
0x14e: {  	[sflag:s13] =	ssyncset.done $0x0  }
0x14f: {  	s12 =	rddreg [dreg:$0xb];
	[sflag:s13] =	ssyncadd.s32 $0xFFFFC000  }
0x150: {  	[tilespmem:s29], [sflag:$0x1] =	stream.indirect.gather [hbm4b:s6+s5], $0x80, s12, s5, $0xb8;
	[tilespmem:$0x1D400] =	vst v63  }
0x151: {  	_ =	swait.ge [sflag:s15], $0x4000  }
0x152: {  	[sflag:s15] =	ssyncset.done $0x0  }
0x153: {  	[sflag:s15] =	ssyncadd.s32 $0xFFFFC000  }
0x154: {  	_ =	swait.ge [sflag:s8], $0x4000  }
0x155: {  	[sflag:s8] =	ssyncset.done $0x0  }
0x156: {  	s1 =	rddreg [dreg:$0xc];
	[sflag:s8] =	ssyncadd.s32 $0xFFFFC000  }
0x157: {  	[tilespmem:s9], [sflag:$0x2] =	stream.indirect.gather [hbm4b:s6+s5], $0x80, s1, s5, $0xb8;
	[tilespmem:$0x1D400] =	vst v63  }
0x158: {  	s12 =	rddreg [dreg:$0xd]  }
0x159: {  	[spmem:s2] =	stream.indirect.scatter.add.f32 [tilespmem:s29], [sflag:$0x3], $0x80, s12, s5, $0xb8;
	[tilespmem:$0x1D400] =	vst v63  }
0x15a: {  	_ =	swait.ge [sflag:s11], $0x4000  }
0x15b: {  	[sflag:s11] =	ssyncset.done $0x0  }
0x15c: {  	s12 =	rddreg [dreg:$0xe];
	[sflag:s11] =	ssyncadd.s32 $0xFFFFC000  }
0x15d: {  	[spmem:s2] =	stream.indirect.scatter.add.f32 [tilespmem:s9], [sflag:$0x4], $0x80, s12, s5, $0xb8;
	[tilespmem:$0x1D400] =	vst v63  }
0x15e: {  	_ =	swait.ge [sflag:s13], $0x4000  }
0x15f: {  	[sflag:s13] =	ssyncset.done $0x0  }
0x160: {  	s12 =	rddreg [dreg:$0xf];
	[sflag:s13] =	ssyncadd.s32 $0xFFFFC000  }
0x161: {  	[tilespmem:s29], [sflag:$0x1] =	stream.indirect.gather [hbm4b:s6+s5], $0x80, s12, s5, $0xb8;
	[tilespmem:$0x1D400] =	vst v63  }
0x162: {  	_ =	swait.ge [sflag:s15], $0x4000  }
0x163: {  	[sflag:s15] =	ssyncset.done $0x0  }
0x164: {  	[sflag:s15] =	ssyncadd.s32 $0xFFFFC000  }
0x165: {  	_ =	swait.ge [sflag:s8], $0x4000  }
0x166: {  	[sflag:s8] =	ssyncset.done $0x0  }
0x167: {  	s1 =	rddreg [dreg:$0x10];
	[sflag:s8] =	ssyncadd.s32 $0xFFFFC000  }
0x168: {  	[tilespmem:s9], [sflag:$0x2] =	stream.indirect.gather [hbm4b:s6+s5], $0x80, s1, s5, $0xb8;
	[tilespmem:$0x1D400] =	vst v63  }
0x169: {  	s12 =	rddreg [dreg:$0x11]  }
0x16a: {  	[spmem:s2] =	stream.indirect.scatter.add.f32 [tilespmem:s29], [sflag:$0x3], $0x80, s12, s5, $0xb8;
	[tilespmem:$0x1D400] =	vst v63  }
0x16b: {  	_ =	swait.ge [sflag:s11], $0x4000  }
0x16c: {  	[sflag:s11] =	ssyncset.done $0x0  }
0x16d: {  	s12 =	rddreg [dreg:$0x12];
	[sflag:s11] =	ssyncadd.s32 $0xFFFFC000  }
0x16e: {  	[spmem:s2] =	stream.indirect.scatter.add.f32 [tilespmem:s9], [sflag:$0x4], $0x80, s12, s5, $0xb8;
	[tilespmem:$0x1D400] =	vst v63  }
0x16f: {  	_ =	swait.ge [sflag:s13], $0x4000  }
0x170: {  	[sflag:s13] =	ssyncset.done $0x0  }
0x171: {  	s12 =	rddreg [dreg:$0x13];
	[sflag:s13] =	ssyncadd.s32 $0xFFFFC000  }
0x172: {  	[tilespmem:s29], [sflag:$0x1] =	stream.indirect.gather [hbm4b:s6+s5], $0x80, s12, s5, $0xb8;
	[tilespmem:$0x1D400] =	vst v63  }
0x173: {  	_ =	swait.ge [sflag:s15], $0x4000  }
0x174: {  	[sflag:s15] =	ssyncset.done $0x0  }
0x175: {  	[sflag:s15] =	ssyncadd.s32 $0xFFFFC000  }
0x176: {  	_ =	swait.ge [sflag:s8], $0x4000  }
0x177: {  	[sflag:s8] =	ssyncset.done $0x0  }
0x178: {  	s12 =	rddreg [dreg:$0x14];
	[sflag:s8] =	ssyncadd.s32 $0xFFFFC000  }
0x179: {  	[tilespmem:s9], [sflag:$0x2] =	stream.indirect.gather [hbm4b:s6+s5], $0x80, s12, s5, $0xb8;
	[tilespmem:$0x1D400] =	vst v63  }
0x17a: {  	_ = 	snop  }
0x17b: {  	[spmem:s2] =	stream.indirect.scatter.add.f32 [tilespmem:s29], [sflag:$0x3], $0x80, s17, s5, $0xb8;
	[tilespmem:$0x1D400] =	vst v63  }
0x17c: {  	_ =	swait.ge [sflag:s11], $0x4000  }
0x17d: {  	[sflag:s11] =	ssyncset.done $0x0  }
0x17e: {  	[sflag:s11] =	ssyncadd.s32 $0xFFFFC000  }
0x17f: {  	[spmem:s2] =	stream.indirect.scatter.add.f32 [tilespmem:s9], [sflag:$0x4], $0x80, s18, s5, $0xb8;
	[tilespmem:$0x1D400] =	vst v63  }
0x180: {  	_ =	swait.ge [sflag:s13], $0x4000  }
0x181: {  	[sflag:s13] =	ssyncset.done $0x0  }
0x182: {  	[sflag:s13] =	ssyncadd.s32 $0xFFFFC000  }
0x183: {  	[tilespmem:s29], [sflag:$0x1] =	stream.indirect.gather [hbm4b:s6+s5], $0x80, s19, s5, $0xb8;
	[tilespmem:$0x1D400] =	vst v63  }
0x184: {  	_ =	swait.ge [sflag:s15], $0x4000  }
0x185: {  	[sflag:s15] =	ssyncset.done $0x0  }
0x186: {  	[sflag:s15] =	ssyncadd.s32 $0xFFFFC000  }
0x187: {  	_ =	swait.ge [sflag:s8], $0x4000  }
0x188: {  	[sflag:s8] =	ssyncset.done $0x0  }
0x189: {  	[sflag:s8] =	ssyncadd.s32 $0xFFFFC000  }
0x18a: {  	[tilespmem:s9], [sflag:$0x2] =	stream.indirect.gather [hbm4b:s6+s5], $0x80, s20, s5, $0xb8;
	[tilespmem:$0x1D400] =	vst v63  }
0x18b: {  	_ = 	snop  }
0x18c: {  	[spmem:s2] =	stream.indirect.scatter.add.f32 [tilespmem:s29], [sflag:$0x3], $0x80, s21, s5, $0xb8;
	[tilespmem:$0x1D400] =	vst v63  }
0x18d: {  	_ =	swait.ge [sflag:s11], $0x4000  }
0x18e: {  	[sflag:s11] =	ssyncset.done $0x0  }
0x18f: {  	[sflag:s11] =	ssyncadd.s32 $0xFFFFC000  }
0x190: {  	[spmem:s2] =	stream.indirect.scatter.add.f32 [tilespmem:s9], [sflag:$0x4], $0x80, s22, s5, $0xb8;
	[tilespmem:$0x1D400] =	vst v63  }
0x191: {  	_ =	swait.ge [sflag:s13], $0x4000  }
0x192: {  	[sflag:s13] =	ssyncset.done $0x0  }
0x193: {  	[sflag:s13] =	ssyncadd.s32 $0xFFFFC000  }
0x194: {  	[tilespmem:s29], [sflag:$0x1] =	stream.indirect.gather [hbm4b:s6+s5], $0x80, s31, s5, $0xb8;
	[tilespmem:$0x1D400] =	vst v63  }
0x195: {  	_ =	swait.ge [sflag:s15], $0x4000  }
0x196: {  	[sflag:s15] =	ssyncset.done $0x0  }
0x197: {  	[sflag:s15] =	ssyncadd.s32 $0xFFFFC000  }
0x198: {  	_ =	swait.ge [sflag:s8], $0x4000  }
0x199: {  	[sflag:s8] =	ssyncset.done $0x0  }
0x19a: {  	[sflag:s8] =	ssyncadd.s32 $0xFFFFC000  }
0x19b: {  	[tilespmem:s9], [sflag:$0x2] =	stream.indirect.gather [hbm4b:s6+s5], $0x80, s23, s5, $0xb8;
	[tilespmem:$0x1D400] =	vst v63  }
0x19c: {  	_ = 	snop  }
0x19d: {  	[spmem:s2] =	stream.indirect.scatter.add.f32 [tilespmem:s29], [sflag:$0x3], $0x80, s24, s5, $0xb8;
	[tilespmem:$0x1D400] =	vst v63  }
0x19e: {  	_ =	swait.ge [sflag:s11], $0x4000  }
0x19f: {  	[sflag:s11] =	ssyncset.done $0x0  }
0x1a0: {  	[sflag:s11] =	ssyncadd.s32 $0xFFFFC000  }
0x1a1: {  	[spmem:s2] =	stream.indirect.scatter.add.f32 [tilespmem:s9], [sflag:$0x4], $0x80, s25, s5, $0xb8;
	[tilespmem:$0x1D400] =	vst v63  }
0x1a2: {  	_ =	swait.ge [sflag:s13], $0x4000  }
0x1a3: {  	[sflag:s13] =	ssyncset.done $0x0  }
0x1a4: {  	[sflag:s13] =	ssyncadd.s32 $0xFFFFC000  }
0x1a5: {  	[tilespmem:s29], [sflag:$0x1] =	stream.indirect.gather [hbm4b:s6+s5], $0x80, s26, s5, $0xb8;
	[tilespmem:$0x1D400] =	vst v63  }
0x1a6: {  	_ =	swait.ge [sflag:s15], $0x4000  }
0x1a7: {  	[sflag:s15] =	ssyncset.done $0x0  }
0x1a8: {  	[sflag:s15] =	ssyncadd.s32 $0xFFFFC000  }
0x1a9: {  	_ =	swait.ge [sflag:s8], $0x4000  }
0x1aa: {  	[sflag:s8] =	ssyncset.done $0x0  }
0x1ab: {  	[sflag:s8] =	ssyncadd.s32 $0xFFFFC000  }
0x1ac: {  	[spmem:s2] =	stream.indirect.scatter.add.f32 [tilespmem:s29], [sflag:$0x3], $0x80, s28, s5, $0xb8;
	[tilespmem:$0x1D400] =	vst v63  }
0x1ad: {  	_ = 	snop  }
0x1ae: {  	[tilespmem:s9], [sflag:$0x2] =	stream.indirect.gather [hbm4b:s6+s5], $0x80, s7, s5, $0xb8;
	[tilespmem:$0x1D400] =	vst v63  }
0x1af: {  	_ =	swait.ge [sflag:s11], $0x4000  }
0x1b0: {  	[sflag:s11] =	ssyncset.done $0x0  }
0x1b1: {  	p0 =	sne.s32 s16, $0x900;
	[sflag:s11] =	ssyncadd.s32 $0xFFFFC000  }
0x1b2: {  	[spmem:s2] =	stream.indirect.scatter.add.f32 [tilespmem:s9], [sflag:$0x4], $0x80, s10, s5, $0xb8;
	[tilespmem:$0x1D400] =	vst v63  }
.Ltmp0:
0x1b3: {  	_ =	swait.ge [sflag:s13], $0x4000;
	(pc) =	sbr.rel @p0 .LBB2_2-.Ltmp0, $4  }
0x1b4: {  	[sflag:s13] =	ssyncset.done $0x0  }
0x1b5: {  	[sflag:s13] =	ssyncadd.s32 $0xFFFFC000  }
0x1b6: {  	_ =	swait.ge [sflag:s15], $0x4000  }
0x1b7: {  	s16 =	sadd.s32 $0x100, s16;
	s1 =	rddreg [dreg:$0x4];
	[sflag:s15] =	ssyncset.done $0x0  }
0x1b8: {  	[sflag:s15] =	ssyncadd.s32 $0xFFFFC000;
	s1 =	sadd.s32 s14, s1  }
0x1b9: {  	[tilespmem:s0], [sflag:$0x5] =	stream.linear.gather [hbm4b:s1+s3], $0x800, $0x38;
	[tilespmem:$0x1D400] =	vst v63  }
0x1ba: {  	_ =	swait.ge [sflag:s30], $0x800  }
0x1bb: {  	s12 =	rddreg [dreg:$0x3];
	[sflag:s30] =	ssyncset.done $0x0  }
0x1bc: {  	[sflag:s30] =	ssyncadd.s32 $0xFFFFF800;
	s1 =	sadd.s32 s14, s12  }
0x1bd: {  	[tilespmem:s4], [sflag:$0x5] =	stream.linear.gather [hbm4b:s1+s3], $0x800, $0x38;
	[tilespmem:$0x1D400] =	vst v63  }
0x1be: {  	_ =	swait.ge [sflag:s30], $0x800  }
0x1bf: {  	[sflag:s30] =	ssyncset.done $0x0  }
0x1c0: {  	[sflag:s30] =	ssyncadd.s32 $0xFFFFF800  }
0x1c1: {  	[tilespmem:s29], [sflag:$0x1] =	stream.indirect.gather [hbm4b:s6+s5], $0x80, s0, s5, $0xb8;
	[tilespmem:$0x1D400] =	vst v63  }
0x1c2: {  	_ =	swait.ge [sflag:s8], $0x4000  }
0x1c3: {  	[sflag:s8] =	ssyncset.done $0x0  }
0x1c4: {  	s16 =	rddreg [dreg:$0x5];
	[sflag:s8] =	ssyncadd.s32 $0xFFFFC000  }
0x1c5: {  	[tilespmem:s9], [sflag:$0x2] =	stream.indirect.gather [hbm4b:s6+s5], $0x80, s16, s5, $0xb8;
	[tilespmem:$0x1D400] =	vst v63  }
0x1c6: {  	_ = 	snop  }
0x1c7: {  	[spmem:s2] =	stream.indirect.scatter.add.f32 [tilespmem:s29], [sflag:$0x3], $0x80, s4, s5, $0xb8;
	[tilespmem:$0x1D400] =	vst v63  }
0x1c8: {  	_ =	swait.ge [sflag:s11], $0x4000  }
0x1c9: {  	[sflag:s11] =	ssyncset.done $0x0  }
0x1ca: {  	s12 =	rddreg [dreg:$0x6];
	[sflag:s11] =	ssyncadd.s32 $0xFFFFC000  }
0x1cb: {  	[spmem:s2] =	stream.indirect.scatter.add.f32 [tilespmem:s9], [sflag:$0x4], $0x80, s12, s5, $0xb8;
	[tilespmem:$0x1D400] =	vst v63  }
0x1cc: {  	_ =	swait.ge [sflag:s13], $0x4000  }
0x1cd: {  	[sflag:s13] =	ssyncset.done $0x0  }
0x1ce: {  	s14 =	rddreg [dreg:$0x7];
	[sflag:s13] =	ssyncadd.s32 $0xFFFFC000  }
0x1cf: {  	[tilespmem:s29], [sflag:$0x1] =	stream.indirect.gather [hbm4b:s6+s5], $0x80, s14, s5, $0xb8;
	[tilespmem:$0x1D400] =	vst v63  }
0x1d0: {  	_ =	swait.ge [sflag:s15], $0x4000  }
0x1d1: {  	[sflag:s15] =	ssyncset.done $0x0  }
0x1d2: {  	[sflag:s15] =	ssyncadd.s32 $0xFFFFC000  }
0x1d3: {  	_ =	swait.ge [sflag:s8], $0x4000  }
0x1d4: {  	[sflag:s8] =	ssyncset.done $0x0  }
0x1d5: {  	s16 =	rddreg [dreg:$0x8];
	[sflag:s8] =	ssyncadd.s32 $0xFFFFC000  }
0x1d6: {  	[tilespmem:s9], [sflag:$0x2] =	stream.indirect.gather [hbm4b:s6+s5], $0x80, s16, s5, $0xb8;
	[tilespmem:$0x1D400] =	vst v63  }
0x1d7: {  	s12 =	rddreg [dreg:$0x9]  }
0x1d8: {  	[spmem:s2] =	stream.indirect.scatter.add.f32 [tilespmem:s29], [sflag:$0x3], $0x80, s12, s5, $0xb8;
	[tilespmem:$0x1D400] =	vst v63  }
0x1d9: {  	_ =	swait.ge [sflag:s11], $0x4000  }
0x1da: {  	[sflag:s11] =	ssyncset.done $0x0  }
0x1db: {  	s14 =	rddreg [dreg:$0xa];
	[sflag:s11] =	ssyncadd.s32 $0xFFFFC000  }
0x1dc: {  	[spmem:s2] =	stream.indirect.scatter.add.f32 [tilespmem:s9], [sflag:$0x4], $0x80, s14, s5, $0xb8;
	[tilespmem:$0x1D400] =	vst v63  }
0x1dd: {  	_ =	swait.ge [sflag:s13], $0x4000  }
0x1de: {  	[sflag:s13] =	ssyncset.done $0x0  }
0x1df: {  	s16 =	rddreg [dreg:$0xb];
	[sflag:s13] =	ssyncadd.s32 $0xFFFFC000  }
0x1e0: {  	[tilespmem:s29], [sflag:$0x1] =	stream.indirect.gather [hbm4b:s6+s5], $0x80, s16, s5, $0xb8;
	[tilespmem:$0x1D400] =	vst v63  }
0x1e1: {  	_ =	swait.ge [sflag:s15], $0x4000  }
0x1e2: {  	[sflag:s15] =	ssyncset.done $0x0  }
0x1e3: {  	[sflag:s15] =	ssyncadd.s32 $0xFFFFC000  }
0x1e4: {  	_ =	swait.ge [sflag:s8], $0x4000  }
0x1e5: {  	[sflag:s8] =	ssyncset.done $0x0  }
0x1e6: {  	s12 =	rddreg [dreg:$0xc];
	[sflag:s8] =	ssyncadd.s32 $0xFFFFC000  }
0x1e7: {  	[tilespmem:s9], [sflag:$0x2] =	stream.indirect.gather [hbm4b:s6+s5], $0x80, s12, s5, $0xb8;
	[tilespmem:$0x1D400] =	vst v63  }
0x1e8: {  	s14 =	rddreg [dreg:$0xd]  }
0x1e9: {  	[spmem:s2] =	stream.indirect.scatter.add.f32 [tilespmem:s29], [sflag:$0x3], $0x80, s14, s5, $0xb8;
	[tilespmem:$0x1D400] =	vst v63  }
0x1ea: {  	_ =	swait.ge [sflag:s11], $0x4000  }
0x1eb: {  	[sflag:s11] =	ssyncset.done $0x0  }
0x1ec: {  	s16 =	rddreg [dreg:$0xe];
	[sflag:s11] =	ssyncadd.s32 $0xFFFFC000  }
0x1ed: {  	[spmem:s2] =	stream.indirect.scatter.add.f32 [tilespmem:s9], [sflag:$0x4], $0x80, s16, s5, $0xb8;
	[tilespmem:$0x1D400] =	vst v63  }
0x1ee: {  	_ =	swait.ge [sflag:s13], $0x4000  }
0x1ef: {  	[sflag:s13] =	ssyncset.done $0x0  }
0x1f0: {  	s12 =	rddreg [dreg:$0xf];
	[sflag:s13] =	ssyncadd.s32 $0xFFFFC000  }
0x1f1: {  	[tilespmem:s29], [sflag:$0x1] =	stream.indirect.gather [hbm4b:s6+s5], $0x80, s12, s5, $0xb8;
	[tilespmem:$0x1D400] =	vst v63  }
0x1f2: {  	_ =	swait.ge [sflag:s15], $0x4000  }
0x1f3: {  	[sflag:s15] =	ssyncset.done $0x0  }
0x1f4: {  	[sflag:s15] =	ssyncadd.s32 $0xFFFFC000  }
0x1f5: {  	_ =	swait.ge [sflag:s8], $0x4000  }
0x1f6: {  	[sflag:s8] =	ssyncset.done $0x0  }
0x1f7: {  	s14 =	rddreg [dreg:$0x10];
	[sflag:s8] =	ssyncadd.s32 $0xFFFFC000  }
0x1f8: {  	[tilespmem:s9], [sflag:$0x2] =	stream.indirect.gather [hbm4b:s6+s5], $0x80, s14, s5, $0xb8;
	[tilespmem:$0x1D400] =	vst v63  }
0x1f9: {  	s16 =	rddreg [dreg:$0x11]  }
0x1fa: {  	[spmem:s2] =	stream.indirect.scatter.add.f32 [tilespmem:s29], [sflag:$0x3], $0x80, s16, s5, $0xb8;
	[tilespmem:$0x1D400] =	vst v63  }
0x1fb: {  	_ =	swait.ge [sflag:s11], $0x4000  }
0x1fc: {  	[sflag:s11] =	ssyncset.done $0x0  }
0x1fd: {  	s14 =	rddreg [dreg:$0x12];
	[sflag:s11] =	ssyncadd.s32 $0xFFFFC000  }
0x1fe: {  	[spmem:s2] =	stream.indirect.scatter.add.f32 [tilespmem:s9], [sflag:$0x4], $0x80, s14, s5, $0xb8;
	[tilespmem:$0x1D400] =	vst v63  }
0x1ff: {  	_ =	swait.ge [sflag:s13], $0x4000  }
0x200: {  	[sflag:s13] =	ssyncset.done $0x0  }
0x201: {  	s16 =	rddreg [dreg:$0x13];
	[sflag:s13] =	ssyncadd.s32 $0xFFFFC000  }
0x202: {  	[tilespmem:s29], [sflag:$0x1] =	stream.indirect.gather [hbm4b:s6+s5], $0x80, s16, s5, $0xb8;
	[tilespmem:$0x1D400] =	vst v63  }
0x203: {  	_ =	swait.ge [sflag:s15], $0x4000  }
0x204: {  	[sflag:s15] =	ssyncset.done $0x0  }
0x205: {  	[sflag:s15] =	ssyncadd.s32 $0xFFFFC000  }
0x206: {  	_ =	swait.ge [sflag:s8], $0x4000  }
0x207: {  	[sflag:s8] =	ssyncset.done $0x0  }
0x208: {  	s12 =	rddreg [dreg:$0x14];
	[sflag:s8] =	ssyncadd.s32 $0xFFFFC000  }
0x209: {  	[tilespmem:s9], [sflag:$0x2] =	stream.indirect.gather [hbm4b:s6+s5], $0x80, s12, s5, $0xb8;
	[tilespmem:$0x1D400] =	vst v63  }
0x20a: {  	_ = 	snop  }
0x20b: {  	[spmem:s2] =	stream.indirect.scatter.add.f32 [tilespmem:s29], [sflag:$0x3], $0x80, s17, s5, $0xb8;
	[tilespmem:$0x1D400] =	vst v63  }
0x20c: {  	_ =	swait.ge [sflag:s11], $0x4000  }
0x20d: {  	[sflag:s11] =	ssyncset.done $0x0  }
0x20e: {  	[sflag:s11] =	ssyncadd.s32 $0xFFFFC000  }
0x20f: {  	[spmem:s2] =	stream.indirect.scatter.add.f32 [tilespmem:s9], [sflag:$0x4], $0x80, s18, s5, $0xb8;
	[tilespmem:$0x1D400] =	vst v63  }
0x210: {  	_ =	swait.ge [sflag:s13], $0x4000  }
0x211: {  	[sflag:s13] =	ssyncset.done $0x0  }
0x212: {  	[sflag:s13] =	ssyncadd.s32 $0xFFFFC000  }
0x213: {  	[tilespmem:s29], [sflag:$0x1] =	stream.indirect.gather [hbm4b:s6+s5], $0x80, s19, s5, $0xb8;
	[tilespmem:$0x1D400] =	vst v63  }
0x214: {  	_ =	swait.ge [sflag:s15], $0x4000  }
0x215: {  	[sflag:s15] =	ssyncset.done $0x0  }
0x216: {  	[sflag:s15] =	ssyncadd.s32 $0xFFFFC000  }
0x217: {  	_ =	swait.ge [sflag:s8], $0x4000  }
0x218: {  	[sflag:s8] =	ssyncset.done $0x0  }
0x219: {  	[sflag:s8] =	ssyncadd.s32 $0xFFFFC000  }
0x21a: {  	[tilespmem:s9], [sflag:$0x2] =	stream.indirect.gather [hbm4b:s6+s5], $0x80, s20, s5, $0xb8;
	[tilespmem:$0x1D400] =	vst v63  }
0x21b: {  	_ = 	snop  }
0x21c: {  	[spmem:s2] =	stream.indirect.scatter.add.f32 [tilespmem:s29], [sflag:$0x3], $0x80, s21, s5, $0xb8;
	[tilespmem:$0x1D400] =	vst v63  }
0x21d: {  	_ =	swait.ge [sflag:s11], $0x4000  }
0x21e: {  	[sflag:s11] =	ssyncset.done $0x0  }
0x21f: {  	[sflag:s11] =	ssyncadd.s32 $0xFFFFC000  }
0x220: {  	[spmem:s2] =	stream.indirect.scatter.add.f32 [tilespmem:s9], [sflag:$0x4], $0x80, s22, s5, $0xb8;
	[tilespmem:$0x1D400] =	vst v63  }
0x221: {  	_ =	swait.ge [sflag:s13], $0x4000  }
0x222: {  	[sflag:s13] =	ssyncset.done $0x0  }
0x223: {  	[sflag:s13] =	ssyncadd.s32 $0xFFFFC000  }
0x224: {  	[tilespmem:s29], [sflag:$0x1] =	stream.indirect.gather [hbm4b:s6+s5], $0x80, s31, s5, $0xb8;
	[tilespmem:$0x1D400] =	vst v63  }
0x225: {  	_ =	swait.ge [sflag:s15], $0x4000  }
0x226: {  	[sflag:s15] =	ssyncset.done $0x0  }
0x227: {  	[sflag:s15] =	ssyncadd.s32 $0xFFFFC000  }
0x228: {  	_ =	swait.ge [sflag:s8], $0x4000  }
0x229: {  	[sflag:s8] =	ssyncset.done $0x0  }
0x22a: {  	[sflag:s8] =	ssyncadd.s32 $0xFFFFC000  }
0x22b: {  	[tilespmem:s9], [sflag:$0x2] =	stream.indirect.gather [hbm4b:s6+s5], $0x80, s23, s5, $0xb8;
	[tilespmem:$0x1D400] =	vst v63  }
0x22c: {  	_ = 	snop  }
0x22d: {  	[spmem:s2] =	stream.indirect.scatter.add.f32 [tilespmem:s29], [sflag:$0x3], $0x80, s24, s5, $0xb8;
	[tilespmem:$0x1D400] =	vst v63  }
0x22e: {  	_ =	swait.ge [sflag:s11], $0x4000  }
0x22f: {  	[sflag:s11] =	ssyncset.done $0x0  }
0x230: {  	[sflag:s11] =	ssyncadd.s32 $0xFFFFC000  }
0x231: {  	[spmem:s2] =	stream.indirect.scatter.add.f32 [tilespmem:s9], [sflag:$0x4], $0x80, s25, s5, $0xb8;
	[tilespmem:$0x1D400] =	vst v63  }
0x232: {  	_ =	swait.ge [sflag:s13], $0x4000  }
0x233: {  	[sflag:s13] =	ssyncset.done $0x0  }
0x234: {  	[sflag:s13] =	ssyncadd.s32 $0xFFFFC000  }
0x235: {  	[tilespmem:s29], [sflag:$0x1] =	stream.indirect.gather [hbm4b:s6+s5], $0x80, s26, s5, $0xb8;
	[tilespmem:$0x1D400] =	vst v63  }
0x236: {  	_ =	swait.ge [sflag:s15], $0x4000  }
0x237: {  	[sflag:s15] =	ssyncset.done $0x0  }
0x238: {  	[sflag:s15] =	ssyncadd.s32 $0xFFFFC000  }
0x239: {  	_ =	swait.ge [sflag:s8], $0x4000  }
0x23a: {  	[sflag:s8] =	ssyncset.done $0x0  }
0x23b: {  	[sflag:s8] =	ssyncadd.s32 $0xFFFFC000  }
0x23c: {  	[spmem:s2] =	stream.indirect.scatter.add.f32 [tilespmem:s29], [sflag:$0x3], $0x80, s28, s5, $0xb8;
	[tilespmem:$0x1D400] =	vst v63  }
0x23d: {  	_ = 	snop  }
0x23e: {  	[tilespmem:s9], [sflag:$0x2] =	stream.indirect.gather [hbm4b:s6+s5], $0x80, s7, s5, $0xb8;
	[tilespmem:$0x1D400] =	vst v63  }
0x23f: {  	_ =	swait.ge [sflag:s11], $0x4000  }
0x240: {  	[sflag:s11] =	ssyncset.done $0x0  }
0x241: {  	[sflag:s11] =	ssyncadd.s32 $0xFFFFC000  }
0x242: {  	[spmem:s2] =	stream.indirect.scatter.add.f32 [tilespmem:s9], [sflag:$0x4], $0x80, s10, s5, $0xb8;
	[tilespmem:$0x1D400] =	vst v63  }
0x243: {  	_ =	swait.ge [sflag:s13], $0x4000  }
0x244: {  	[sflag:s13] =	ssyncset.done $0x0  }
0x245: {  	[sflag:s13] =	ssyncadd.s32 $0xFFFFC000  }
0x246: {  	_ =	swait.ge [sflag:s15], $0x4000  }
0x247: {  	[sflag:s15] =	ssyncset.done $0x0  }
0x248: {  	[sflag:s15] =	ssyncadd.s32 $0xFFFFC000  }
0x249: {  	[bflag:$0x0] =	sbarrier.arrive $0xFFFF  }
0x24a: {  	s14 =	rddreg [dreg:$0x17]  }
0x24b: {  	[tilespmem:s29], [sflag:$0x5] =	stream.linear.gather [spmem:s14], $0x4000, $0x38;
	[tilespmem:$0x1D400] =	vst v63  }
0x24c: {  	_ =	swait.ge [sflag:s30], $0x4000  }
0x24d: {  	s16 =	sld [smem:$0x7F3]  }
0x24e: {  	[sflag:s30] =	ssyncset.done $0x0  }
0x24f: {  	[sflag:s30] =	ssyncadd.s32 $0xFFFFC000  }
0x250: {  	[hbm4b:s16+s3] =	stream.linear.scatter [tilespmem:s29], [sflag:$0x5], $0x4000, $0x38;
	[tilespmem:$0x1D400] =	vst v63  }
0x251: {  	_ =	swait.ge [sflag:s30], $0x4000  }
0x252: {  	[sflag:s30] =	ssyncset.done $0x0  }
0x253: {  	s16 =	rddreg [dreg:$0x1a];
	[sflag:s30] =	ssyncadd.s32 $0xFFFFC000  }
0x254: {  	[tilespmem:s29], [sflag:$0x5] =	stream.linear.gather [spmem:s16], $0x4000, $0x38;
	[tilespmem:$0x1D400] =	vst v63  }
0x255: {  	_ =	swait.ge [sflag:s30], $0x4000  }
0x256: {  	s12 =	sld [smem:$0x7F4]  }
0x257: {  	[sflag:s30] =	ssyncset.done $0x0  }
0x258: {  	[sflag:s30] =	ssyncadd.s32 $0xFFFFC000  }
0x259: {  	[hbm4b:s12+s3] =	stream.linear.scatter [tilespmem:s29], [sflag:$0x5], $0x4000, $0x38;
	[tilespmem:$0x1D400] =	vst v63  }
0x25a: {  	_ =	swait.ge [sflag:s30], $0x4000  }
0x25b: {  	[sflag:s30] =	ssyncset.done $0x0  }
0x25c: {  	s12 =	rddreg [dreg:$0x1c];
	[sflag:s30] =	ssyncadd.s32 $0xFFFFC000  }
0x25d: {  	[tilespmem:s29], [sflag:$0x5] =	stream.linear.gather [spmem:s12], $0x4000, $0x38;
	[tilespmem:$0x1D400] =	vst v63  }
0x25e: {  	_ =	swait.ge [sflag:s30], $0x4000  }
0x25f: {  	s14 =	sld [smem:$0x7F5]  }
0x260: {  	[sflag:s30] =	ssyncset.done $0x0  }
0x261: {  	[sflag:s30] =	ssyncadd.s32 $0xFFFFC000  }
0x262: {  	[hbm4b:s14+s3] =	stream.linear.scatter [tilespmem:s29], [sflag:$0x5], $0x4000, $0x38;
	[tilespmem:$0x1D400] =	vst v63  }
0x263: {  	_ =	swait.ge [sflag:s30], $0x4000  }
0x264: {  	[sflag:s30] =	ssyncset.done $0x0  }
0x265: {  	s14 =	rddreg [dreg:$0x1e];
	[sflag:s30] =	ssyncadd.s32 $0xFFFFC000  }
0x266: {  	[tilespmem:s29], [sflag:$0x5] =	stream.linear.gather [spmem:s14], $0x4000, $0x38;
	[tilespmem:$0x1D400] =	vst v63  }
0x267: {  	_ =	swait.ge [sflag:s30], $0x4000  }
0x268: {  	s14 =	sld [smem:$0x7F6]  }
0x269: {  	[sflag:s30] =	ssyncset.done $0x0  }
0x26a: {  	[sflag:s30] =	ssyncadd.s32 $0xFFFFC000  }
0x26b: {  	[hbm4b:s14+s3] =	stream.linear.scatter [tilespmem:s29], [sflag:$0x5], $0x4000, $0x38;
	[tilespmem:$0x1D400] =	vst v63  }
0x26c: {  	_ =	swait.ge [sflag:s30], $0x4000  }
0x26d: {  	s14 =	sld [smem:$0x7F1]  }
0x26e: {  	[sflag:s30] =	ssyncset.done $0x0  }
0x26f: {  	[sflag:s30] =	ssyncadd.s32 $0xFFFFC000  }
0x270: {  	[tilespmem:s29], [sflag:$0x5] =	stream.linear.gather [spmem:s14], $0x4000, $0x38;
	[tilespmem:$0x1D400] =	vst v63  }
0x271: {  	_ =	swait.ge [sflag:s30], $0x4000  }
0x272: {  	s14 =	sld [smem:$0x7F7]  }
0x273: {  	[sflag:s30] =	ssyncset.done $0x0  }
0x274: {  	[sflag:s30] =	ssyncadd.s32 $0xFFFFC000  }
0x275: {  	[hbm4b:s14+s3] =	stream.linear.scatter [tilespmem:s29], [sflag:$0x5], $0x4000, $0x38;
	[tilespmem:$0x1D400] =	vst v63  }
0x276: {  	_ =	swait.ge [sflag:s30], $0x4000  }
0x277: {  	s1 =	sld [smem:$0x7FD];
	_ =	sdelay $0x2  }
0x278: {  	s14 =	sadd.s32 $0x1, s1;
	s1 =	rddreg [dreg:$0x18]  }
0x279: {  	p0 =	sne.s32 s14, s1  }
.Ltmp1:
0x27a: {  	_ = 	snop;
	(pc) =	sbr.rel @p0 .LBB2_1-.Ltmp1, $3  }
0x27b: {  	_ =	sdelay $0x1  }
0x27c: {  	[sflag:s30] =	ssyncset.done $0x0;
	[smem:$0x7FD] =	sst s14  }
0x27d: {  	[sflag:s30] =	ssyncadd.s32 $0xFFFFC000;
	s14 =	rddreg [dreg:$0x17]  }
0x27e: {  	_ =	sfence.sel $0x180000  }
0x27f: {  	[bflag:$0x0] =	sbarrier.arrive $0xFFFF  }
0x280: {  	_ =	strace $0x9000004A  }
0x281: {  	s0 =	stileid.u32;
	[bflag:$0x2] =	sbarrier.arrive $0xFFFF  }
0x282: {  	p0 =	sne.s32 s0, $0x0;
	s0 =	rddreg [dreg:$0x2]  }
0x283: {  	s0 =	sadd.s32 @!p0 $0x100000, s0  }
0x284: {  	[sflag:s0] =	ssyncadd.tile.s32 @!p0 $0x1;
	_ =	shalt  }
.Lfunc_end2:
_tile_overlayer_lowered:
.L_overlay_start_2:
0x285: {  	(tag) =	ssettag $0x2  }
0x286: {  	s0 =	rddreg [dreg:$0x0];
	s2 =	stileid.u32  }
0x287: {  	s1 =	rddreg [dreg:$0x1];
	p0 =	sne.s32 s2, $0x0  }
0x288: {  	s3 =	rddreg [dreg:$0x2];
	[bflag:$0x3] =	sbarrier.arrive $0xFFFF;
	s2 =	simm.s32 @!p0 $0x1C05  }
0x289: {  	[timem:s3], [sflag:s2] =	dma.local @!p0 [hbm:s0], s1  }
0x28a: {  	s0 =	simm.s32 @!p0 $0x5  }
0x28b: {  	_ =	swait.ge @!p0 [sflag:s0], s1  }
0x28c: {  	s1 =	ssub.s32 @!p0 $0x0, s1;
	[sflag:s0] =	ssyncset.done @!p0 $0x0  }
0x28d: {  	[sflag:s0] =	ssyncadd.s32 @!p0 s1  }
0x28e: {  	[bflag:$0x3] =	sbarrier.arrive $0xFFFF  }
0x28f: {  	_ =	shalt  }

// kernel: kernel.7.cloned.1.call-start
scs
__scs_entry_jumppad:
0x0: {  	(pc) =	sbr.rel $0x88, $3  }
0x1: {  	(tag) =	ssettag $0x0;
	lr =	simm.s32 $0x1  }
0x2: {  	[smem:$0x3F94] =	sst lr;
	_ =	strace $0xD0000000  }
0x3: {  	_ = 	snop  }
0x4: {  	_ = 	snop  }
0x5: {  	_ = 	snop  }
0x6: {  	_ = 	snop  }
0x7: {  	_ = 	snop  }
__scs_overlays_trampoline_lowered:
0x8: {  	[smem:$0x3FA3] =	sst s0  }
0x9: {  	[smem:$0x3FA4] =	sst s1  }
0xa: {  	[smem:$0x3FA5] =	sst s2  }
0xb: {  	[smem:$0x3FA6] =	sst s3  }
0xc: {  	[smem:$0x3FA7] =	sst s4  }
0xd: {  	[smem:$0x3FA8] =	sst s5  }
0xe: {  	[smem:$0x3FA9] =	sst s6  }
0xf: {  	[smem:$0x3FAA] =	sst s7  }
0x10: {  	[smem:$0x3FAB] =	sst s8  }
0x11: {  	[smem:$0x3FAC] =	sst s9;
	s0 =	simm.s32 @!p0 $0x0  }
0x12: {  	s1 =	sld [smem:$0x3F92];
	s0 =	simm.s32 @p0 $0x1  }
0x13: {  	[smem:$0x3FAD] =	sst s0;
	s0 =	simm.s32 @!p1 $0x0  }
0x14: {  	s2 =	sld [smem:$0x3F91];
	s0 =	simm.s32 @p1 $0x1  }
0x15: {  	[smem:$0x3FAE] =	sst s0;
	s0 =	simm.s32 @!p2 $0x0  }
0x16: {  	s3 =	sld [smem:$0x3FDB];
	s0 =	simm.s32 @p2 $0x1  }
0x17: {  	s4 =	simm.s32 $0x1BF5;
	[smem:$0x3FB0] =	sst s0  }
0x18: {  	s0 =	sld [smem:$0x3F93];
	_ =	swait.ge [sflag:s4], $0x0  }
0x19: {  	s7 =	sld [smem:$0x3F94]  }
0x1a: {  	s8 =	sadd.s32 $0xFFFFE003, lr  }
0x1b: {  	s9 =	sadd.s32 $0xFFFFFEF7, lr;
	s5 =	simm.s32 $0xFFFFFFFF;
	p2 =	slt.u32 s8, $0xFFFFF086  }
0x1c: {  	p1 =	slt.u32 s9, $0xF7A;
	s5 =	simm.s32 @!p2 $0x0  }
0x1d: {  	s5 =	simm.s32 @p1 $0x1;
	p0 =	seq.s32 s7, s2  }
0x1e: {  	s7 =	smul.u32 @!p0 $0xF7A, s2;
	p2 =	seq.s32 @!p0 s5, $0x0  }
0x1f: {  	s9 =	smul.u32 $0xF7A, s1;
	s8 =	simm.s32 @!p0 $0x1BF5;
	p2 =	por !p2, p0  }
0x20: {  	[sflag:s8] =	ssyncset.s32 @!p0 $0xFFFFF086;
	s6 =	sadd.s32 @!p0 s3, s7;
	s7 =	simm.s32 @!p0 $0x108  }
0x21: {  	s3 =	sadd.s32 s3, s9;
	s6 =	sadd.s32 @!p0 $0x88, s6;
	s7 =	simm.s32 @p2 $0x1082  }
0x22: {  	[simem:s7], [sflag:s8] =	dma.local @!p0 [hbm:s6], $0xF7A  }
0x23: {  	s9 =	sor.u32 $0xD0000000, s2;
	s6 =	simm.s32 $0x108;
	_ =	swait.ge @!p0 [sflag:s8], $0x0  }
0x24: {  	s3 =	sadd.s32 $0x88, s3;
	s6 =	simm.s32 @!p1 $0x1082;
	[sflag:s4] =	ssyncset.s32 $0xFFFFF086  }
0x25: {  	[simem:s6], [sflag:s4] =	dma.local [hbm:s3], $0xF7A  }
0x26: {  	[smem:$0x3F94] =	sst s1;
	(tag) =	ssettag s2;
	_ =	strace s9  }
0x27: {  	s1 =	sld [smem:$0x3FA4]  }
0x28: {  	s2 =	sld [smem:$0x3FA5]  }
0x29: {  	s4 =	sld [smem:$0x3FA7]  }
0x2a: {  	p0 =	seq.s32 s5, $0x0;
	s5 =	sld [smem:$0x3FA8]  }
0x2b: {  	s6 =	sld [smem:$0x3FA9]  }
0x2c: {  	s7 =	sld [smem:$0x3FAA]  }
0x2d: {  	s3 =	simm.s32 $0x108;
	s8 =	sld [smem:$0x3FAB]  }
0x2e: {  	s3 =	simm.s32 @!p0 $0x1082;
	s9 =	sld [smem:$0x3FAC]  }
0x2f: {  	lr =	sadd.s32 s0, s3;
	s0 =	sld [smem:$0x3FA3]  }
0x30: {  	s3 =	sld [smem:$0x3FA6]  }
0x31: {  	[smem:$0x3FAF] =	sst s10  }
0x32: {  	s10 =	sld [smem:$0x3FAD];
	_ =	sdelay $0x3  }
0x33: {  	p0 =	seq.s32 s10, $0x1;
	s10 =	sld [smem:$0x3FAF];
	_ =	sdelay $0x3  }
0x34: {  	[smem:$0x3FAF] =	sst s10  }
0x35: {  	s10 =	sld [smem:$0x3FAE];
	_ =	sdelay $0x3  }
0x36: {  	p1 =	seq.s32 s10, $0x1;
	s10 =	sld [smem:$0x3FAF];
	_ =	sdelay $0x3  }
0x37: {  	[smem:$0x3FAF] =	sst s10  }
0x38: {  	s10 =	sld [smem:$0x3FB0]  }
0x39: {  	_ = 	snop;
	(pc) =	sbr.ind lr, $3  }
0x3a: {  	_ = 	snop  }
0x3b: {  	_ = 	snop  }
0x3c: {  	p2 =	seq.s32 s10, $0x1;
	s10 =	sld [smem:$0x3FAF]  }
0x3d: {  	_ =	shalt  }
0x3e: {  	_ =	shalt  }
0x3f: {  	_ =	shalt  }
0x40: {  	_ =	shalt  }
0x41: {  	_ =	shalt  }
0x42: {  	_ =	shalt  }
0x43: {  	_ =	shalt  }
0x44: {  	_ =	shalt  }
0x45: {  	_ =	shalt  }
0x46: {  	_ =	shalt  }
0x47: {  	_ =	shalt  }
0x48: {  	_ =	shalt  }
0x49: {  	_ =	shalt  }
0x4a: {  	_ =	shalt  }
0x4b: {  	_ =	shalt  }
0x4c: {  	_ =	shalt  }
0x4d: {  	_ =	shalt  }
0x4e: {  	_ =	shalt  }
0x4f: {  	_ =	shalt  }
0x50: {  	_ =	shalt  }
0x51: {  	_ =	shalt  }
0x52: {  	_ =	shalt  }
0x53: {  	_ =	shalt  }
0x54: {  	_ =	shalt  }
0x55: {  	_ =	shalt  }
0x56: {  	_ =	shalt  }
0x57: {  	_ =	shalt  }
0x58: {  	_ =	shalt  }
0x59: {  	_ =	shalt  }
0x5a: {  	_ =	shalt  }
0x5b: {  	_ =	shalt  }
0x5c: {  	_ =	shalt  }
0x5d: {  	_ =	shalt  }
0x5e: {  	_ =	shalt  }
0x5f: {  	_ =	shalt  }
0x60: {  	_ =	shalt  }
0x61: {  	_ =	shalt  }
0x62: {  	_ =	shalt  }
0x63: {  	_ =	shalt  }
0x64: {  	_ =	shalt  }
0x65: {  	_ =	shalt  }
0x66: {  	_ =	shalt  }
0x67: {  	_ =	shalt  }
0x68: {  	_ =	shalt  }
0x69: {  	_ =	shalt  }
0x6a: {  	_ =	shalt  }
0x6b: {  	_ =	shalt  }
0x6c: {  	_ =	shalt  }
0x6d: {  	_ =	shalt  }
0x6e: {  	_ =	shalt  }
0x6f: {  	_ =	shalt  }
0x70: {  	_ =	shalt  }
0x71: {  	_ =	shalt  }
0x72: {  	_ =	shalt  }
0x73: {  	_ =	shalt  }
0x74: {  	_ =	shalt  }
0x75: {  	_ =	shalt  }
0x76: {  	_ =	shalt  }
0x77: {  	_ =	shalt  }
0x78: {  	_ =	shalt  }
0x79: {  	_ =	shalt  }
0x7a: {  	_ =	shalt  }
0x7b: {  	_ =	shalt  }
0x7c: {  	_ =	shalt  }
0x7d: {  	_ =	shalt  }
0x7e: {  	_ =	shalt  }
0x7f: {  	_ =	shalt  }
0x80: {  	_ =	shalt  }
0x81: {  	_ =	shalt  }
0x82: {  	_ =	shalt  }
0x83: {  	_ =	shalt  }
0x84: {  	_ =	shalt  }
0x85: {  	_ =	shalt  }
0x86: {  	_ =	shalt  }
0x87: {  	_ =	shalt  }
.Lfunc_end0:
.L_simem_size_0:
called_computation_lowered:
.L_overlay_start_0:
0x88: {  	s2 =	sld [smem:$0x3FD9]  }
0x89: {  	s3 =	sld [smem:$0x3FFE];
	_ =	sdelay $0x1  }
0x8a: {  	s1 =	srdreg.scid  }
0x8b: {  	s0 =	sand.u32 $0x1, s1  }
0x8c: {  	s17 =	sshll.u32 s0, $0xA;
	s2 =	sadd.s32 s3, s2  }
0x8d: {  	s2 =	sadd.s32 s2, s17  }
0x8e: {  	[smem:$0x3FBB] =	sst s2  }
0x8f: {  	_ = 	snop  }
0x90: {  	s2 =	sld [smem:$0x3FD0];
	(tm) =	ssettm $0x1  }
0x91: {  	s18 =	sld [smem:$0x3FFB];
	_ =	sdelay $0x3  }
0x92: {  	_ =	strace s18  }
0x93: {  	s3 =	sld [smem:$0x3FFC];
	_ =	sdelay $0x3  }
0x94: {  	_ =	strace s3  }
0x95: {  	s3 =	sld [smem:$0x3FFD];
	_ =	sdelay $0x3  }
0x96: {  	_ =	strace s3  }
0x97: {  	_ =	strace $0x8FFFFFFF  }
0x98: {  	s19 =	sld [smem:$0x3FDB];
	_ =	sdelay $0x1  }
0x99: {  	s4 =	simm.s32 $_scs_section_size  }
0x9a: {  	s5 =	simm.s32 $_size__tile_overlayer_lowered;
	s6 =	simm.s32 $_tile_overlayer_lowered  }
0x9b: {  	s22 =	simm.s32 $0x1BFF;
	s21 =	sshll.u32 s6, $0x1;
	s3 =	sadd.s32 s4, s19  }
0x9c: {  	s7 =	simm.s32 $0x0;
	s20 =	sshll.u32 s5, $0x1;
	s5 =	sadd.s32 s21, s3  }
0x9d: {  	[timem:s7], [sflag:s22] =	dma.local [hbm:s5], s20  }
0x9e: {  	_ =	swait.ge [sflag:s22], s20  }
0x9f: {  	s4 =	ssub.s32 $0x0, s20;
	[sflag:s22] =	ssyncset.done $0x0  }
0xa0: {  	[sflag:s22] =	ssyncadd.s32 s4;
	_ =	sdelay $0x1  }
0xa1: {  	s23 =	simm.s32 $0x1B8B  }
0xa2: {  	_ =	swait.ge [sflag:s23], $0x1  }
0xa3: {  	[sflag:s23] =	ssyncset.done $0x0  }
0xa4: {  	s25 =	simm.s32 $0x1B8E;
	s24 =	sld [smem:$0x3FFE];
	[sflag:s23] =	ssyncadd.s32 $0xFFFFFFFF  }
0xa5: {  	s26 =	simm.s32 $execute0_lowered;
	[smem:$0x3FD2] =	sst s25  }
0xa6: {  	s5 =	sshll.u32 s26, $0x1;
	_ =	strace $0x80000046;
	[dreg:$0x1] =	wrdreg $0xFFFFFFFF  }
0xa7: {  	s28 =	simm.s32 $_size_execute0_lowered;
	s3 =	sadd.s32 s3, s5;
	[dreg:$0x0] =	wrdreg $0x0  }
0xa8: {  	s5 =	sshll.u32 s28, $0x1;
	[dreg:$0x2] =	wrdreg s3  }
0xa9: {  	[dreg:$0x3] =	wrdreg s5  }
0xaa: {  	[dreg:$0x4] =	wrdreg $0xC0  }
0xab: {  	_ =	task [dreg:s7], $0x5FFFF  }
0xac: {  	[dreg:$0x1] =	wrdreg $0xFFFFFFFF  }
0xad: {  	[dreg:$0x0] =	wrdreg $0x60  }
0xae: {  	[dreg:$0x2] =	wrdreg s2  }
0xaf: {  	[dreg:$0x3] =	wrdreg s24  }
0xb0: {  	[dreg:$0x4] =	wrdreg $0x0  }
0xb1: {  	[dreg:$0x5] =	wrdreg $0x9  }
0xb2: {  	_ =	task.clear_ibuf [dreg:s7], $0x6FFFF;
	_ =	strace $0x90000046  }
0xb3: {  	s29 =	simm.s32 $0x9;
	_ =	strace $0x80000048  }
0xb4: {  	_ =	swait.ge [sflag:s29], $0x1  }
0xb5: {  	[sflag:s29] =	ssyncadd.s32 $0xFFFFFFFF  }
0xb6: {  	_ =	strace $0x90000048  }
0xb7: {  	_ =	sfence  }
0xb8: {  	s30 =	sld [smem:$0x0];
	_ =	sdelay $0x2  }
0xb9: {  	s31 =	sshll.u32 s1, $0xD;
	s1 =	sshrl.u32 s1, $0x2  }
0xba: {  	s3 =	sand.u32 $0x4000, s31;
	s1 =	sadd.s32 s1, s30  }
0xbb: {  	s0 =	sor.u32 s3, s0;
	s1 =	sshll.u32 s1, $0x11  }
0xbc: {  	s0 =	sor.u32 s1, s0  }
0xbd: {  	s0 =	sadd.s32 $0x8F2B, s0  }
0xbe: {  	[sflag:s0] =	ssyncadd.remote.s32 $0x1  }
0xbf: {  	_ =	sfence.sel $0xFFFF  }
0xc0: {  	[dreg:$0x0] =	wrdreg $0xFFFFFFFF;
	(pc) =	sbr.abs _section_cstart, $3  }
0xc1: {  	[dreg:$0x1] =	wrdreg $0xFFFFFFFF  }
0xc2: {  	_ =	task.clear_ibuf [dreg:s7], $0x2FFFF;
	_ =	strace $0x9FFFFFFF  }
0xc3: {  	(tm) =	ssettm $0x7FFFFFFF  }
tec
execute0_lowered:
.L_overlay_start_1:
0x0: {  	(tag) =	ssettag $0x1  }
0x1: {  	s0 =	rddreg [dreg:$0x0]  }
0x2: {  	s1 =	srdreg.scid;
	s2 =	rddreg [dreg:$0x1]  }
0x3: {  	s3 =	rddreg [dreg:$0x2];
	s10 =	stileid.u32;
	s4 =	simm.s32 $0x0  }
0x4: {  	s23 =	simm.s32 $0xC800;
	s28 =	simm.s32 $0x80;
	s29 =	simm.s32 $0x1  }
0x5: {  	s30 =	simm.s32 $0x10800;
	s31 =	simm.s32 $0x2;
	s1 =	sand.u32 $0x1, s1  }
0x6: {  	[smem:$0x7FF] =	sst s4;
	s6 =	smul.u32 $0x28000, s10;
	s7 =	sadd.s32 $0xBC00, s2  }
0x7: {  	s26 =	smul.u32 $0xA000, s10;
	s5 =	sshll.u32 s1, $0x4;
	_ =	strace $0x80000047  }
0x8: {  	[dreg:$0x4] =	wrdreg s7;
	s24 =	ssub.s32 $0x2, s1;
	s1 =	smul.u32 $0xA0000, s1  }
0x9: {  	s5 =	sor.u32 s10, s5;
	s8 =	sshrl.u32 s24, $0x1;
	s6 =	sshrl.u32 s6, $0x2  }
0xa: {  	s15 =	sadd.s32 $0x2000, s26;
	s17 =	sadd.s32 $0x4000, s26;
	s19 =	sadd.s32 $0x6000, s26  }
0xb: {  	s5 =	smul.u32 $0x280, s5;
	s9 =	ssub.s32 s24, s8;
	s6 =	sadd.s32 s6, s3  }
0xc: {  	s14 =	sadd.s32 s1, s26;
	s16 =	sadd.s32 s1, s15;
	s15 =	sadd.s32 s15, s3  }
0xd: {  	s18 =	sadd.s32 s1, s17;
	s17 =	sadd.s32 s17, s3;
	s20 =	sadd.s32 s1, s19  }
0xe: {  	s19 =	sadd.s32 s19, s3;
	s24 =	simm.s32 $0x5;
	s9 =	smax.u32 s9, $0x1  }
0xf: {  	s10 =	sadd.s32 $0x2000, s6;
	s11 =	sadd.s32 $0x4000, s6;
	s12 =	sadd.s32 $0x6000, s6  }
0x10: {  	s13 =	sadd.s32 $0x8000, s6;
	s14 =	sshrl.u32 s14, $0x3;
	s16 =	sshrl.u32 s16, $0x3  }
0x11: {  	s18 =	sshrl.u32 s18, $0x3;
	s20 =	sshrl.u32 s20, $0x3;
	s5 =	sadd.s32 s5, s2  }
0x12: {  	s2 =	sadd.s32 $0x1FC00, s2;
	s25 =	sadd.s32 $0x6C00, s5;
	s5 =	sadd.s32 $0x1C00, s5  }
0x13: {  	s14 =	sadd.s32 s2, s14;
	s16 =	sadd.s32 s2, s16;
	s18 =	sadd.s32 s2, s18  }
0x14: {  	s20 =	sadd.s32 s2, s20;
	[dreg:$0x6] =	wrdreg s5;
	s5 =	sadd.s32 $0x8000, s26  }
0x15: {  	[dreg:$0x5] =	wrdreg s25;
	s25 =	simm.s32 $0xA000;
	s1 =	sadd.s32 s1, s5  }
0x16: {  	s26 =	simm.s32 $0x0;
	s21 =	sadd.s32 s5, s3;
	s1 =	sshrl.u32 s1, $0x3  }
0x17: {  	s22 =	sadd.s32 s2, s1;
	s1 =	simm.s32 $0x3;
	s2 =	simm.s32 $0x4  }
.LBB2_1:
0x18: {  	s5 =	rddreg [dreg:$0x4]  }
0x19: {  	[tilespmem:s23], [sflag:$0x5] =	stream.linear.gather [hbm4b:s5+s4], $0x4000, $0x38;
	[tilespmem:$0x14800] =	vst v63  }
0x1a: {  	_ =	swait.ge [sflag:s24], $0x4000  }
0x1b: {  	[sflag:s24] =	ssyncset.done $0x0  }
0x1c: {  	[sflag:s24] =	ssyncadd.s32 $0xFFFFC000  }
0x1d: {  	[spmem:s6] =	stream.linear.scatter [tilespmem:s23], [sflag:$0x5], $0x2000, $0x38;
	[tilespmem:$0x14800] =	vst v63  }
0x1e: {  	_ =	swait.ge [sflag:s24], $0x2000  }
0x1f: {  	[sflag:s24] =	ssyncset.done $0x0  }
0x20: {  	[sflag:s24] =	ssyncadd.s32 $0xFFFFE000  }
0x21: {  	[spmem:s10] =	stream.linear.scatter [tilespmem:s23], [sflag:$0x5], $0x2000, $0x38;
	[tilespmem:$0x14800] =	vst v63  }
0x22: {  	_ =	swait.ge [sflag:s24], $0x2000  }
0x23: {  	[sflag:s24] =	ssyncset.done $0x0  }
0x24: {  	[sflag:s24] =	ssyncadd.s32 $0xFFFFE000  }
0x25: {  	[spmem:s11] =	stream.linear.scatter [tilespmem:s23], [sflag:$0x5], $0x2000, $0x38;
	[tilespmem:$0x14800] =	vst v63  }
0x26: {  	_ =	swait.ge [sflag:s24], $0x2000  }
0x27: {  	[sflag:s24] =	ssyncset.done $0x0  }
0x28: {  	[sflag:s24] =	ssyncadd.s32 $0xFFFFE000  }
0x29: {  	[spmem:s12] =	stream.linear.scatter [tilespmem:s23], [sflag:$0x5], $0x2000, $0x38;
	[tilespmem:$0x14800] =	vst v63  }
0x2a: {  	_ =	swait.ge [sflag:s24], $0x2000  }
0x2b: {  	[sflag:s24] =	ssyncset.done $0x0  }
0x2c: {  	[sflag:s24] =	ssyncadd.s32 $0xFFFFE000  }
0x2d: {  	[spmem:s13] =	stream.linear.scatter [tilespmem:s23], [sflag:$0x5], $0x2000, $0x38;
	[tilespmem:$0x14800] =	vst v63  }
0x2e: {  	_ =	swait.ge [sflag:s24], $0x2000  }
0x2f: {  	[sflag:s24] =	ssyncset.done $0x0  }
0x30: {  	[sflag:s24] =	ssyncadd.s32 $0xFFFFE000  }
0x31: {  	[bflag:$0x0] =	sbarrier.arrive $0xFFFF  }
0x32: {  	s7 =	rddreg [dreg:$0x5]  }
0x33: {  	[tilespmem:s25], [sflag:$0x5] =	stream.linear.gather [hbm4b:s7+s4], $0x1400, $0x38;
	[tilespmem:$0x14800] =	vst v63  }
0x34: {  	_ =	swait.ge [sflag:s24], $0x1400  }
0x35: {  	[sflag:s24] =	ssyncset.done $0x0  }
0x36: {  	s7 =	simm.s32 $0xB400;
	s8 =	rddreg [dreg:$0x6];
	[sflag:s24] =	ssyncadd.s32 $0xFFFFEC00  }
0x37: {  	[tilespmem:s7], [sflag:$0x5] =	stream.linear.gather [hbm4b:s8+s4], $0x1400, $0x38;
	[tilespmem:$0x14800] =	vst v63  }
0x38: {  	_ =	swait.ge [sflag:s24], $0x1400  }
0x39: {  	[sflag:s24] =	ssyncset.done $0x0  }
0x3a: {  	[sflag:s24] =	ssyncadd.s32 $0xFFFFEC00  }
0x3b: {  	[tilespmem:s23], [sflag:$0x1] =	stream.indirect.gather [hbm4b:s0+s28], $0x80, s25, s28, $0xb8;
	[tilespmem:$0x14800] =	vst v63  }
0x3c: {  	_ =	swait.ge [sflag:s29], $0x4000  }
0x3d: {  	[sflag:s29] =	ssyncset.done $0x0  }
0x3e: {  	s7 =	simm.s32 $0xA080;
	[sflag:s29] =	ssyncadd.s32 $0xFFFFC000  }
0x3f: {  	[tilespmem:s30], [sflag:$0x2] =	stream.indirect.gather [hbm4b:s0+s28], $0x80, s7, s28, $0xb8;
	[tilespmem:$0x14800] =	vst v63  }
0x40: {  	s8 =	simm.s32 $0xB400  }
0x41: {  	[spmem:s3] =	stream.indirect.scatter.add.f32 [tilespmem:s23], [sflag:$0x3], $0x80, s8, s28, $0xb8;
	[tilespmem:$0x14800] =	vst v63  }
0x42: {  	_ =	swait.ge [sflag:s31], $0x4000  }
0x43: {  	[sflag:s31] =	ssyncset.done $0x0  }
0x44: {  	s7 =	simm.s32 $0xB480;
	[sflag:s31] =	ssyncadd.s32 $0xFFFFC000  }
0x45: {  	[spmem:s3] =	stream.indirect.scatter.add.f32 [tilespmem:s30], [sflag:$0x4], $0x80, s7, s28, $0xb8;
	[tilespmem:$0x14800] =	vst v63  }
0x46: {  	_ =	swait.ge [sflag:s1], $0x4000  }
0x47: {  	[sflag:s1] =	ssyncset.done $0x0  }
0x48: {  	s8 =	simm.s32 $0xA100;
	[sflag:s1] =	ssyncadd.s32 $0xFFFFC000  }
0x49: {  	[tilespmem:s23], [sflag:$0x1] =	stream.indirect.gather [hbm4b:s0+s28], $0x80, s8, s28, $0xb8;
	[tilespmem:$0x14800] =	vst v63  }
0x4a: {  	_ =	swait.ge [sflag:s2], $0x4000  }
0x4b: {  	s5 =	simm.s32 $0x400;
	[sflag:s2] =	ssyncset.done $0x0  }
.LBB2_2:
0x4c: {  	p0 =	sne.s32 s5, $0x4800  }
0x4d: {  	[sflag:s2] =	ssyncadd.s32 $0xFFFFC000;
	s7 =	smov.u32 s5;
	s5 =	sadd.s32 $0x400, s5  }
0x4e: {  	_ =	swait.ge [sflag:s29], $0x4000  }
0x4f: {  	s7 =	sshra.s32 s7, $0x2;
	[sflag:s29] =	ssyncset.done $0x0  }
0x50: {  	s8 =	sadd.s32 $0xA080, s7;
	[sflag:s29] =	ssyncadd.s32 $0xFFFFC000  }
0x51: {  	[tilespmem:s30], [sflag:$0x2] =	stream.indirect.gather [hbm4b:s0+s28], $0x80, s8, s28, $0xb8;
	[tilespmem:$0x14800] =	vst v63  }
0x52: {  	s8 =	sadd.s32 $0xB400, s7  }
0x53: {  	[spmem:s3] =	stream.indirect.scatter.add.f32 [tilespmem:s23], [sflag:$0x3], $0x80, s8, s28, $0xb8;
	[tilespmem:$0x14800] =	vst v63  }
0x54: {  	_ =	swait.ge [sflag:s31], $0x4000  }
0x55: {  	[sflag:s31] =	ssyncset.done $0x0  }
0x56: {  	s8 =	sadd.s32 $0xB480, s7;
	[sflag:s31] =	ssyncadd.s32 $0xFFFFC000  }
0x57: {  	[spmem:s3] =	stream.indirect.scatter.add.f32 [tilespmem:s30], [sflag:$0x4], $0x80, s8, s28, $0xb8;
	[tilespmem:$0x14800] =	vst v63  }
0x58: {  	_ =	swait.ge [sflag:s1], $0x4000  }
.Ltmp0:
0x59: {  	[sflag:s1] =	ssyncset.done $0x0;
	(pc) =	sbr.rel @p0 .LBB2_2-.Ltmp0, $4  }
0x5a: {  	s7 =	sadd.s32 $0xA100, s7;
	[sflag:s1] =	ssyncadd.s32 $0xFFFFC000  }
0x5b: {  	[tilespmem:s23], [sflag:$0x1] =	stream.indirect.gather [hbm4b:s0+s28], $0x80, s7, s28, $0xb8;
	[tilespmem:$0x14800] =	vst v63  }
0x5c: {  	_ =	swait.ge [sflag:s2], $0x4000  }
0x5d: {  	[sflag:s2] =	ssyncset.done $0x0  }
0x5e: {  	[sflag:s2] =	ssyncadd.s32 $0xFFFFC000  }
0x5f: {  	_ =	swait.ge [sflag:s29], $0x4000  }
0x60: {  	[sflag:s29] =	ssyncset.done $0x0  }
0x61: {  	s5 =	simm.s32 $0xC700;
	[sflag:s29] =	ssyncadd.s32 $0xFFFFC000  }
0x62: {  	[spmem:s3] =	stream.indirect.scatter.add.f32 [tilespmem:s23], [sflag:$0x3], $0x80, s5, s28, $0xb8;
	[tilespmem:$0x14800] =	vst v63  }
0x63: {  	s7 =	simm.s32 $0xB380  }
0x64: {  	[tilespmem:s30], [sflag:$0x2] =	stream.indirect.gather [hbm4b:s0+s28], $0x80, s7, s28, $0xb8;
	[tilespmem:$0x14800] =	vst v63  }
0x65: {  	_ =	swait.ge [sflag:s31], $0x4000  }
0x66: {  	[sflag:s31] =	ssyncset.done $0x0  }
0x67: {  	s8 =	simm.s32 $0xC780;
	[sflag:s31] =	ssyncadd.s32 $0xFFFFC000  }
0x68: {  	[spmem:s3] =	stream.indirect.scatter.add.f32 [tilespmem:s30], [sflag:$0x4], $0x80, s8, s28, $0xb8;
	[tilespmem:$0x14800] =	vst v63  }
0x69: {  	_ =	swait.ge [sflag:s1], $0x4000  }
0x6a: {  	[sflag:s1] =	ssyncset.done $0x0  }
0x6b: {  	[sflag:s1] =	ssyncadd.s32 $0xFFFFC000  }
0x6c: {  	_ =	swait.ge [sflag:s2], $0x4000  }
0x6d: {  	[sflag:s2] =	ssyncset.done $0x0  }
0x6e: {  	[sflag:s2] =	ssyncadd.s32 $0xFFFFC000  }
0x6f: {  	[bflag:$0x0] =	sbarrier.arrive $0xFFFF  }
0x70: {  	[tilespmem:s23], [sflag:$0x5] =	stream.linear.gather [spmem:s6], $0x2000, $0x38;
	[tilespmem:$0x14800] =	vst v63  }
0x71: {  	_ =	swait.ge [sflag:s24], $0x2000  }
0x72: {  	[sflag:s24] =	ssyncset.done $0x0  }
0x73: {  	[sflag:s24] =	ssyncadd.s32 $0xFFFFE000  }
0x74: {  	[hbm4b:s14+s4] =	stream.linear.scatter [tilespmem:s23], [sflag:$0x5], $0x2000, $0x38;
	[tilespmem:$0x14800] =	vst v63  }
0x75: {  	_ =	swait.ge [sflag:s24], $0x2000  }
0x76: {  	[sflag:s24] =	ssyncset.done $0x0  }
0x77: {  	[sflag:s24] =	ssyncadd.s32 $0xFFFFE000  }
0x78: {  	[tilespmem:s23], [sflag:$0x5] =	stream.linear.gather [spmem:s15], $0x2000, $0x38;
	[tilespmem:$0x14800] =	vst v63  }
0x79: {  	_ =	swait.ge [sflag:s24], $0x2000  }
0x7a: {  	[sflag:s24] =	ssyncset.done $0x0  }
0x7b: {  	[sflag:s24] =	ssyncadd.s32 $0xFFFFE000  }
0x7c: {  	[hbm4b:s16+s4] =	stream.linear.scatter [tilespmem:s23], [sflag:$0x5], $0x2000, $0x38;
	[tilespmem:$0x14800] =	vst v63  }
0x7d: {  	_ =	swait.ge [sflag:s24], $0x2000  }
0x7e: {  	[sflag:s24] =	ssyncset.done $0x0  }
0x7f: {  	[sflag:s24] =	ssyncadd.s32 $0xFFFFE000  }
0x80: {  	[tilespmem:s23], [sflag:$0x5] =	stream.linear.gather [spmem:s17], $0x2000, $0x38;
	[tilespmem:$0x14800] =	vst v63  }
0x81: {  	_ =	swait.ge [sflag:s24], $0x2000  }
0x82: {  	[sflag:s24] =	ssyncset.done $0x0  }
0x83: {  	[sflag:s24] =	ssyncadd.s32 $0xFFFFE000  }
0x84: {  	[hbm4b:s18+s4] =	stream.linear.scatter [tilespmem:s23], [sflag:$0x5], $0x2000, $0x38;
	[tilespmem:$0x14800] =	vst v63  }
0x85: {  	_ =	swait.ge [sflag:s24], $0x2000  }
0x86: {  	[sflag:s24] =	ssyncset.done $0x0  }
0x87: {  	[sflag:s24] =	ssyncadd.s32 $0xFFFFE000  }
0x88: {  	[tilespmem:s23], [sflag:$0x5] =	stream.linear.gather [spmem:s19], $0x2000, $0x38;
	[tilespmem:$0x14800] =	vst v63  }
0x89: {  	_ =	swait.ge [sflag:s24], $0x2000  }
0x8a: {  	[sflag:s24] =	ssyncset.done $0x0  }
0x8b: {  	[sflag:s24] =	ssyncadd.s32 $0xFFFFE000  }
0x8c: {  	[hbm4b:s20+s4] =	stream.linear.scatter [tilespmem:s23], [sflag:$0x5], $0x2000, $0x38;
	[tilespmem:$0x14800] =	vst v63  }
0x8d: {  	_ =	swait.ge [sflag:s24], $0x2000  }
0x8e: {  	[sflag:s24] =	ssyncset.done $0x0  }
0x8f: {  	[sflag:s24] =	ssyncadd.s32 $0xFFFFE000  }
0x90: {  	[tilespmem:s23], [sflag:$0x5] =	stream.linear.gather [spmem:s21], $0x2000, $0x38;
	[tilespmem:$0x14800] =	vst v63  }
0x91: {  	s26 =	sadd.s32 $0x1, s26;
	_ =	swait.ge [sflag:s24], $0x2000  }
0x92: {  	p0 =	sne.s32 s26, s9;
	[sflag:s24] =	ssyncset.done $0x0  }
.Ltmp1:
0x93: {  	[sflag:s24] =	ssyncadd.s32 $0xFFFFE000;
	(pc) =	sbr.rel @p0 .LBB2_1-.Ltmp1, $4  }
0x94: {  	[hbm4b:s22+s4] =	stream.linear.scatter [tilespmem:s23], [sflag:$0x5], $0x2000, $0x38;
	[tilespmem:$0x14800] =	vst v63  }
0x95: {  	_ =	swait.ge [sflag:s24], $0x2000  }
0x96: {  	[sflag:s24] =	ssyncset.done $0x0  }
0x97: {  	[sflag:s24] =	ssyncadd.s32 $0xFFFFE000  }
0x98: {  	_ =	sfence.sel $0x180000  }
0x99: {  	[bflag:$0x0] =	sbarrier.arrive $0xFFFF  }
0x9a: {  	_ =	strace $0x90000047  }
0x9b: {  	s0 =	stileid.u32;
	[bflag:$0x2] =	sbarrier.arrive $0xFFFF  }
0x9c: {  	p0 =	sne.s32 s0, $0x0;
	s0 =	rddreg [dreg:$0x3]  }
0x9d: {  	s0 =	sadd.s32 @!p0 $0x100000, s0  }
0x9e: {  	[sflag:s0] =	ssyncadd.tile.s32 @!p0 $0x1;
	_ =	shalt  }
.Lfunc_end2:
_tile_overlayer_lowered:
.L_overlay_start_2:
0x9f: {  	(tag) =	ssettag $0x2  }
0xa0: {  	s0 =	rddreg [dreg:$0x0];
	s2 =	stileid.u32  }
0xa1: {  	s1 =	rddreg [dreg:$0x1];
	p0 =	sne.s32 s2, $0x0  }
0xa2: {  	s3 =	rddreg [dreg:$0x2];
	[bflag:$0x3] =	sbarrier.arrive $0xFFFF;
	s2 =	simm.s32 @!p0 $0x1C05  }
0xa3: {  	[timem:s3], [sflag:s2] =	dma.local @!p0 [hbm:s0], s1  }
0xa4: {  	s0 =	simm.s32 @!p0 $0x5  }
0xa5: {  	_ =	swait.ge @!p0 [sflag:s0], s1  }
0xa6: {  	s1 =	ssub.s32 @!p0 $0x0, s1;
	[sflag:s0] =	ssyncset.done @!p0 $0x0  }
0xa7: {  	[sflag:s0] =	ssyncadd.s32 @!p0 s1  }
0xa8: {  	[bflag:$0x3] =	sbarrier.arrive $0xFFFF  }
0xa9: {  	_ =	shalt  }

</sc_bundles>
